<compile_context>
chip_gen: v7x
topology: tpu7x:2x2x1
jax: 0.10.2.dev20260603
libtpu: 0.0.44.dev20260713+nightly
codegen_flags: <defaults>
</compile_context>

<pallas_src>
import functools

import jax
import jax.numpy as jnp
from jax import lax
from jax.experimental import pallas as pl
from jax.experimental.pallas import tpu as pltpu
from jax.experimental.pallas import tpu_sc as plsc

N_NODES = 10000
N_EDGES = 320000
F_IN = 128
HID = 128
C_OUT = 64

NC = 2
NS = 16
NW = NC * NS

CHUNK = 80
EDGES_PER_TILE = N_EDGES // NW
CH_PER_TILE = EDGES_PER_TILE // CHUNK
N_ACC = N_NODES
ROWS_OUT = N_ACC // NS
W1 = 128
W2 = 64

NBUF = 2
BLK_M = 2048
GRID_M = 5


def _make_sc_pass(width, with_deg):
    mesh = plsc.VectorSubcoreMesh(core_axis_name="c", subcore_axis_name="s")

    out_type = [jax.ShapeDtypeStruct((NC, N_ACC, width), jnp.float32)]
    scratch = [
        pltpu.VMEM((CH_PER_TILE, CHUNK), jnp.int32),
        pltpu.VMEM((CH_PER_TILE, CHUNK), jnp.int32),
        pltpu.VMEM((CHUNK, width), jnp.float32),
        pltpu.VMEM((CHUNK, width), jnp.float32),
        pltpu.VMEM_SHARED((N_ACC, width), jnp.float32),
    ]
    if with_deg:
        out_type.append(jax.ShapeDtypeStruct((NC, N_ACC, 8), jnp.float32))
        scratch += [
            pltpu.VMEM((CHUNK, 8), jnp.float32),
            pltpu.VMEM_SHARED((N_ACC, 8), jnp.float32),
        ]
    scratch += [pltpu.SemaphoreType.DMA] * (2 * NBUF)

    @functools.partial(
        pl.kernel,
        out_type=out_type,
        mesh=mesh,
        compiler_params=pltpu.CompilerParams(use_tc_tiling_on_sc=False),
        scratch_types=scratch,
    )
    def sc_pass(table, adj4, zeros, *rest):
        if with_deg:
            zd, ones, out, outd, src_v, dst_v, r0, r1, acc, ones_v, accd = \
                rest[:11]
            sems = rest[11:]
        else:
            out, src_v, dst_v, r0, r1, acc = rest[:6]
            sems = rest[6:]
        rows = (r0, r1)
        gs = sems[:NBUF]
        ss = sems[NBUF:]
        c = lax.axis_index("c")
        s = lax.axis_index("s")
        wid = c * NS + s
        pltpu.sync_copy(zeros, acc.at[pl.ds(s * ROWS_OUT, ROWS_OUT)])
        if with_deg:
            pltpu.sync_copy(zd, accd.at[pl.ds(s * ROWS_OUT, ROWS_OUT)])
            pltpu.sync_copy(ones, ones_v)
        pltpu.sync_copy(adj4.at[0, wid], src_v)
        pltpu.sync_copy(adj4.at[1, wid], dst_v)
        plsc.subcore_barrier()

        def gi(j, b):
            pltpu.async_copy(table.at[src_v.at[j]], rows[b], gs[b])

        def gw(b):
            pltpu.make_async_copy(table.at[src_v.at[0]], rows[b],
                                  gs[b]).wait()

        def si(j, b):
            pltpu.async_copy(rows[b], acc.at[dst_v.at[j]], ss[b], add=True)
            if with_deg:
                pltpu.async_copy(ones_v, accd.at[dst_v.at[j]], ss[b],
                                 add=True)

        def sw(b):
            pltpu.make_async_copy(rows[b], acc.at[dst_v.at[0]],
                                  ss[b]).wait()
            if with_deg:
                pltpu.make_async_copy(ones_v, accd.at[dst_v.at[0]],
                                      ss[b]).wait()

        gi(0, 0)
        gi(1, 1)

        @pl.loop(0, (CH_PER_TILE - 3) // 2)
        def _(i):
            j0 = i * 2
            for b in range(2):
                j = j0 + b
                gw(b)
                si(j, b)
                sw(b)
                gi(j + 2, b)

        e = CH_PER_TILE - 3
        gw(0); si(e, 0); sw(0); gi(e + 2, 0)
        gw(1); si(e + 1, 1); sw(1)
        gw(0); si(e + 2, 0); sw(0)

        plsc.subcore_barrier()
        pltpu.sync_copy(
            acc.at[pl.ds(s * ROWS_OUT, ROWS_OUT)],
            out.at[c, pl.ds(s * ROWS_OUT, ROWS_OUT)],
        )
        if with_deg:
            pltpu.sync_copy(
                accd.at[pl.ds(s * ROWS_OUT, ROWS_OUT)],
                outd.at[c, pl.ds(s * ROWS_OUT, ROWS_OUT)],
            )

    return sc_pass


_sc_pass1 = _make_sc_pass(W1, True)
_sc_pass2 = _make_sc_pass(W2, False)


def _tc_mid_body(x_ref, p0_ref, p1_ref, degp0_ref, degp1_ref, w1s_ref,
                 w1n_ref, b1_ref, w2n_ref, w2s_ref, b2_ref, hn_ref, hs_ref,
                 dinv_ref):
    p = p0_ref[0] + p1_ref[0]
    deg = degp0_ref[0, :, 0:1] + degp1_ref[0, :, 0:1]
    dinv = 1.0 / jnp.maximum(deg, 1.0)
    mean = p * dinv
    h = x_ref[...] @ w1s_ref[...] + mean @ w1n_ref[...] + b1_ref[...]
    h = jnp.maximum(h, 0.0)
    hn_ref[...] = h @ w2n_ref[...]
    hs_ref[...] = h @ w2s_ref[...] + b2_ref[...]
    dinv_ref[...] = dinv


def _tc_fin_body(hs_ref, q0_ref, q1_ref, dinv_ref, out_ref):
    agg = q0_ref[0] + q1_ref[0]
    out_ref[...] = hs_ref[...] + agg * dinv_ref[...]


_tc_mid = pl.pallas_call(
    _tc_mid_body,
    grid=(GRID_M,),
    in_specs=[
        pl.BlockSpec((BLK_M, F_IN), lambda i: (i, 0)),
        pl.BlockSpec((1, BLK_M, W1), lambda i: (0, i, 0)),
        pl.BlockSpec((1, BLK_M, W1), lambda i: (1, i, 0)),
        pl.BlockSpec((1, BLK_M, 8), lambda i: (0, i, 0)),
        pl.BlockSpec((1, BLK_M, 8), lambda i: (1, i, 0)),
        pl.BlockSpec((F_IN, HID), lambda i: (0, 0)),
        pl.BlockSpec((F_IN, HID), lambda i: (0, 0)),
        pl.BlockSpec((1, HID), lambda i: (0, 0)),
        pl.BlockSpec((HID, C_OUT), lambda i: (0, 0)),
        pl.BlockSpec((HID, C_OUT), lambda i: (0, 0)),
        pl.BlockSpec((1, C_OUT), lambda i: (0, 0)),
    ],
    out_specs=[
        pl.BlockSpec((BLK_M, W2), lambda i: (i, 0)),
        pl.BlockSpec((BLK_M, C_OUT), lambda i: (i, 0)),
        pl.BlockSpec((BLK_M, 1), lambda i: (i, 0)),
    ],
    out_shape=[
        jax.ShapeDtypeStruct((N_NODES, W2), jnp.float32),
        jax.ShapeDtypeStruct((N_NODES, C_OUT), jnp.float32),
        jax.ShapeDtypeStruct((N_NODES, 1), jnp.float32),
    ],
)

_tc_fin = pl.pallas_call(
    _tc_fin_body,
    grid=(GRID_M,),
    in_specs=[
        pl.BlockSpec((BLK_M, C_OUT), lambda i: (i, 0)),
        pl.BlockSpec((1, BLK_M, C_OUT), lambda i: (0, i, 0)),
        pl.BlockSpec((1, BLK_M, C_OUT), lambda i: (1, i, 0)),
        pl.BlockSpec((BLK_M, 1), lambda i: (i, 0)),
    ],
    out_specs=pl.BlockSpec((BLK_M, C_OUT), lambda i: (i, 0)),
    out_shape=jax.ShapeDtypeStruct((N_NODES, C_OUT), jnp.float32),
)


@jax.jit
def kernel(x, adj, W1_self, W1_neigh, b1, W2_self, W2_neigh, b2):
    adj4 = adj.reshape(2, NW, CH_PER_TILE, CHUNK)

    z1 = jnp.zeros((ROWS_OUT, W1), jnp.float32)
    z2 = jnp.zeros((ROWS_OUT, W2), jnp.float32)
    zd = jnp.zeros((ROWS_OUT, 8), jnp.float32)
    ones = jnp.ones((CHUNK, 8), jnp.float32)

    parts1, degp = jax.tree_util.tree_leaves(
        _sc_pass1(x, adj4, z1, zd, ones))
    hn, hs, dinv = _tc_mid(x, parts1, parts1, degp, degp, W1_self,
                           W1_neigh, b1.reshape(1, HID), W2_neigh, W2_self,
                           b2.reshape(1, C_OUT))
    parts2 = jax.tree_util.tree_leaves(_sc_pass2(hn, adj4, z2))[0]
    return _tc_fin(hs, parts2, parts2, dinv)

# --- scband reference (transcript-rebuilt; emitter-appended) ---
"""Pipeline reference for scband-graph-sage-56126632624274 (READ-ONLY COPY).

The authoritative reference and input builder live on the scoring server;
editing this copy changes nothing except your own understanding.
"""

import jax, jax.numpy as jnp
import numpy as np

N = 10000
E = 320000
F_IN = 128
H = 128
C = 64


def _glorot(key, shape):
    lim = np.sqrt(6.0 / (shape[0] + shape[1]))
    return jax.random.uniform(key, shape, dtype=jnp.float32, minval=-lim, maxval=lim)


def setup_inputs(seed: int = 0) -> dict:
    key = jax.random.key(seed)
    ks = jax.random.split(key, 8)
    x = jax.random.normal(ks[0], (N, F_IN), dtype=jnp.float32)
    adj = jax.random.randint(ks[1], (2, E), 0, N, dtype=jnp.int32)
    W1_self = _glorot(ks[2], (F_IN, H))
    W1_neigh = _glorot(ks[3], (F_IN, H))
    b1 = jnp.zeros((H,), dtype=jnp.float32)
    W2_self = _glorot(ks[4], (H, C))
    W2_neigh = _glorot(ks[5], (H, C))
    b2 = jnp.zeros((C,), dtype=jnp.float32)
    return {"x": x, "adj": adj, "W1_self": W1_self, "W1_neigh": W1_neigh, "b1": b1,
            "W2_self": W2_self, "W2_neigh": W2_neigh, "b2": b2}


def _sage_conv(h, adj, W_self, W_neigh, b):
    src = adj[0]
    dst = adj[1]
    n = h.shape[0]
    msgs = jnp.take(h, src, axis=0)
    agg = jax.ops.segment_sum(msgs, dst, num_segments=n)
    deg = jax.ops.segment_sum(jnp.ones((adj.shape[1],), dtype=h.dtype), dst, num_segments=n)
    mean = agg / jnp.maximum(deg, 1.0)[:, None]
    return h @ W_self + mean @ W_neigh + b


def reference(x, adj, W1_self, W1_neigh, b1, W2_self, W2_neigh, b2):
    h = _sage_conv(x, adj, W1_self, W1_neigh, b1)
    h = jax.nn.relu(h)
    # F.dropout with training=False is identity (eval mode)
    out = _sage_conv(h, adj, W2_self, W2_neigh, b2)
    return out

if __name__ == "__main__":
    import jax
    _d = setup_inputs()
    print(jax.jit(kernel)(*tuple(_d.values())))

</pallas_src>

<mosaic_0001>
#map = affine_map<(d0, d1) -> (0, 0)>
#map1 = affine_map<(d0, d1) -> (0, 0, 0, 0)>
#map2 = affine_map<(d0, d1) -> (0, 0, 0)>
module attributes {stable_mosaic.version = 14 : i64} {
  func.func @sc_pass(%arg0: i32, %arg1: i32, %arg2: memref<10000x128xf32, #tpu.memory_space<hbm>>, %arg3: memref<2x32x125x80xi32, #tpu.memory_space<hbm>>, %arg4: memref<625x128xf32, #tpu.memory_space<hbm>>, %arg5: memref<625x8xf32, #tpu.memory_space<hbm>>, %arg6: memref<80x8xf32, #tpu.memory_space<hbm>>, %arg7: memref<2x10000x128xf32, #tpu.memory_space<hbm>>, %arg8: memref<2x10000x8xf32, #tpu.memory_space<hbm>>, %arg9: memref<125x80xi32, #tpu.memory_space<vmem>>, %arg10: memref<125x80xi32, #tpu.memory_space<vmem>>, %arg11: memref<80x128xf32, #tpu.memory_space<vmem>>, %arg12: memref<80x128xf32, #tpu.memory_space<vmem>>, %arg13: memref<10000x128xf32, #tpu.memory_space<vmem_shared>>, %arg14: memref<80x8xf32, #tpu.memory_space<vmem>>, %arg15: memref<10000x8xf32, #tpu.memory_space<vmem_shared>>, %arg16: memref<!tpu.dma_semaphore, #tpu.memory_space<semaphore_mem>>, %arg17: memref<!tpu.dma_semaphore, #tpu.memory_space<semaphore_mem>>, %arg18: memref<!tpu.dma_semaphore, #tpu.memory_space<semaphore_mem>>, %arg19: memref<!tpu.dma_semaphore, #tpu.memory_space<semaphore_mem>>) attributes {dimension_semantics = [#tpu.dimension_semantics<core_parallel>, #tpu.dimension_semantics<subcore_parallel>], iteration_bounds = array<i64: 2, 16>, scalar_prefetch = 0 : i64, scratch_operands = 11 : i64, tpu.core_type = #tpu.core_type<sc_vector_subcore>, window_params = [{transform_indices = #map}, {transform_indices = #map1}, {transform_indices = #map}, {transform_indices = #map}, {transform_indices = #map}, {transform_indices = #map2}, {transform_indices = #map2}]} {
    %mul3A = arith.constant 16 : i32
    %mul3A_0 = arith.muli %arg0, %mul3A : i32
    %add3A = arith.addi %mul3A_0, %arg1 : i32
    %mul3A_1 = arith.constant 625 : i32
    %mul3A_2 = arith.muli %arg1, %mul3A_1 : i32
    "tpu.region"() ({
      %run_scoped3A_143 = tpu.sem_alloc : memref<!tpu.dma_semaphore, #tpu.memory_space<semaphore_mem>>
      %dma_start3A_144 = arith.constant 0 : i32
      %dma_start3A_145 = tpu.memref_slice %arg13[%mul3A_2, %dma_start3A_144] : memref<10000x128xf32, #tpu.memory_space<vmem_shared>> -> memref<625x128xf32, #tpu.memory_space<vmem_shared>>
      tpu.enqueue_dma source(%arg4 : memref<625x128xf32, #tpu.memory_space<hbm>>) target(%dma_start3A_145 : memref<625x128xf32, #tpu.memory_space<vmem_shared>>) target_semaphore(%run_scoped3A_143 : memref<!tpu.dma_semaphore, #tpu.memory_space<semaphore_mem>>)
      %dma_wait3A_146 = arith.constant 0 : i32
      %dma_wait3A_147 = tpu.memref_slice %arg13[%mul3A_2, %dma_wait3A_146] : memref<10000x128xf32, #tpu.memory_space<vmem_shared>> -> memref<625x128xf32, #tpu.memory_space<vmem_shared>>
      tpu.wait_dma2 semaphore(%run_scoped3A_143 : memref<!tpu.dma_semaphore, #tpu.memory_space<semaphore_mem>>) src(%arg4 : memref<625x128xf32, #tpu.memory_space<hbm>>) dst(%dma_wait3A_147 : memref<625x128xf32, #tpu.memory_space<vmem_shared>>)
      tpu.yield
    }) : () -> ()
    %mul3A_3 = arith.constant 625 : i32
    %mul3A_4 = arith.muli %arg1, %mul3A_3 : i32
    "tpu.region"() ({
      %run_scoped3A_143 = tpu.sem_alloc : memref<!tpu.dma_semaphore, #tpu.memory_space<semaphore_mem>>
      %dma_start3A_144 = arith.constant 0 : i32
      %dma_start3A_145 = tpu.memref_slice %arg15[%mul3A_4, %dma_start3A_144] : memref<10000x8xf32, #tpu.memory_space<vmem_shared>> -> memref<625x8xf32, #tpu.memory_space<vmem_shared>>
      tpu.enqueue_dma source(%arg5 : memref<625x8xf32, #tpu.memory_space<hbm>>) target(%dma_start3A_145 : memref<625x8xf32, #tpu.memory_space<vmem_shared>>) target_semaphore(%run_scoped3A_143 : memref<!tpu.dma_semaphore, #tpu.memory_space<semaphore_mem>>)
      %dma_wait3A_146 = arith.constant 0 : i32
      %dma_wait3A_147 = tpu.memref_slice %arg15[%mul3A_4, %dma_wait3A_146] : memref<10000x8xf32, #tpu.memory_space<vmem_shared>> -> memref<625x8xf32, #tpu.memory_space<vmem_shared>>
      tpu.wait_dma2 semaphore(%run_scoped3A_143 : memref<!tpu.dma_semaphore, #tpu.memory_space<semaphore_mem>>) src(%arg5 : memref<625x8xf32, #tpu.memory_space<hbm>>) dst(%dma_wait3A_147 : memref<625x8xf32, #tpu.memory_space<vmem_shared>>)
      tpu.yield
    }) : () -> ()
    "tpu.region"() ({
      %run_scoped3A_143 = tpu.sem_alloc : memref<!tpu.dma_semaphore, #tpu.memory_space<semaphore_mem>>
      tpu.enqueue_dma source(%arg6 : memref<80x8xf32, #tpu.memory_space<hbm>>) target(%arg14 : memref<80x8xf32, #tpu.memory_space<vmem>>) target_semaphore(%run_scoped3A_143 : memref<!tpu.dma_semaphore, #tpu.memory_space<semaphore_mem>>)
      tpu.wait_dma2 semaphore(%run_scoped3A_143 : memref<!tpu.dma_semaphore, #tpu.memory_space<semaphore_mem>>) src(%arg6 : memref<80x8xf32, #tpu.memory_space<hbm>>) dst(%arg14 : memref<80x8xf32, #tpu.memory_space<vmem>>)
      tpu.yield
    }) : () -> ()
    %run_scoped3A = arith.constant 0 : i32
    "tpu.region"() ({
      %run_scoped3A_143 = tpu.sem_alloc : memref<!tpu.dma_semaphore, #tpu.memory_space<semaphore_mem>>
      %dma_start3A_144 = arith.constant 0 : i32
      %dma_start3A_145 = arith.constant 0 : i32
      %dma_start3A_146 = tpu.memref_slice %arg3[%run_scoped3A, %add3A, %dma_start3A_144, %dma_start3A_145] : memref<2x32x125x80xi32, #tpu.memory_space<hbm>> -> memref<1x1x125x80xi32, #tpu.memory_space<hbm>>
      %dma_start3A_147 = tpu.memref_squeeze %dma_start3A_146 : memref<1x1x125x80xi32, #tpu.memory_space<hbm>> -> memref<125x80xi32, #tpu.memory_space<hbm>>
      %dma_start3A_148 = arith.constant 0 : i32
      %dma_start3A_149 = arith.constant 0 : i32
      %dma_start3A_150 = tpu.memref_slice %arg3[%run_scoped3A, %add3A, %dma_start3A_148, %dma_start3A_149] : memref<2x32x125x80xi32, #tpu.memory_space<hbm>> -> memref<1x1x125x80xi32, #tpu.memory_space<hbm>>
      %dma_start3A_151 = tpu.memref_squeeze %dma_start3A_150 : memref<1x1x125x80xi32, #tpu.memory_space<hbm>> -> memref<125x80xi32, #tpu.memory_space<hbm>>
      tpu.enqueue_dma source(%dma_start3A_151 : memref<125x80xi32, #tpu.memory_space<hbm>>) target(%arg9 : memref<125x80xi32, #tpu.memory_space<vmem>>) target_semaphore(%run_scoped3A_143 : memref<!tpu.dma_semaphore, #tpu.memory_space<semaphore_mem>>)
      %dma_wait3A_152 = arith.constant 0 : i32
      %dma_wait3A_153 = arith.constant 0 : i32
      %dma_wait3A_154 = tpu.memref_slice %arg3[%run_scoped3A, %add3A, %dma_wait3A_152, %dma_wait3A_153] : memref<2x32x125x80xi32, #tpu.memory_space<hbm>> -> memref<1x1x125x80xi32, #tpu.memory_space<hbm>>
      %dma_wait3A_155 = tpu.memref_squeeze %dma_wait3A_154 : memref<1x1x125x80xi32, #tpu.memory_space<hbm>> -> memref<125x80xi32, #tpu.memory_space<hbm>>
      %dma_wait3A_156 = arith.constant 0 : i32
      %dma_wait3A_157 = arith.constant 0 : i32
      %dma_wait3A_158 = tpu.memref_slice %arg3[%run_scoped3A, %add3A, %dma_wait3A_156, %dma_wait3A_157] : memref<2x32x125x80xi32, #tpu.memory_space<hbm>> -> memref<1x1x125x80xi32, #tpu.memory_space<hbm>>
      %dma_wait3A_159 = tpu.memref_squeeze %dma_wait3A_158 : memref<1x1x125x80xi32, #tpu.memory_space<hbm>> -> memref<125x80xi32, #tpu.memory_space<hbm>>
      tpu.wait_dma2 semaphore(%run_scoped3A_143 : memref<!tpu.dma_semaphore, #tpu.memory_space<semaphore_mem>>) src(%dma_wait3A_159 : memref<125x80xi32, #tpu.memory_space<hbm>>) dst(%arg9 : memref<125x80xi32, #tpu.memory_space<vmem>>)
      tpu.yield
    }) : () -> ()
    %run_scoped3A_5 = arith.constant 1 : i32
    "tpu.region"() ({
      %run_scoped3A_143 = tpu.sem_alloc : memref<!tpu.dma_semaphore, #tpu.memory_space<semaphore_mem>>
      %dma_start3A_144 = arith.constant 0 : i32
      %dma_start3A_145 = arith.constant 0 : i32
      %dma_start3A_146 = tpu.memref_slice %arg3[%run_scoped3A_5, %add3A, %dma_start3A_144, %dma_start3A_145] : memref<2x32x125x80xi32, #tpu.memory_space<hbm>> -> memref<1x1x125x80xi32, #tpu.memory_space<hbm>>
      %dma_start3A_147 = tpu.memref_squeeze %dma_start3A_146 : memref<1x1x125x80xi32, #tpu.memory_space<hbm>> -> memref<125x80xi32, #tpu.memory_space<hbm>>
      %dma_start3A_148 = arith.constant 0 : i32
      %dma_start3A_149 = arith.constant 0 : i32
      %dma_start3A_150 = tpu.memref_slice %arg3[%run_scoped3A_5, %add3A, %dma_start3A_148, %dma_start3A_149] : memref<2x32x125x80xi32, #tpu.memory_space<hbm>> -> memref<1x1x125x80xi32, #tpu.memory_space<hbm>>
      %dma_start3A_151 = tpu.memref_squeeze %dma_start3A_150 : memref<1x1x125x80xi32, #tpu.memory_space<hbm>> -> memref<125x80xi32, #tpu.memory_space<hbm>>
      tpu.enqueue_dma source(%dma_start3A_151 : memref<125x80xi32, #tpu.memory_space<hbm>>) target(%arg10 : memref<125x80xi32, #tpu.memory_space<vmem>>) target_semaphore(%run_scoped3A_143 : memref<!tpu.dma_semaphore, #tpu.memory_space<semaphore_mem>>)
      %dma_wait3A_152 = arith.constant 0 : i32
      %dma_wait3A_153 = arith.constant 0 : i32
      %dma_wait3A_154 = tpu.memref_slice %arg3[%run_scoped3A_5, %add3A, %dma_wait3A_152, %dma_wait3A_153] : memref<2x32x125x80xi32, #tpu.memory_space<hbm>> -> memref<1x1x125x80xi32, #tpu.memory_space<hbm>>
      %dma_wait3A_155 = tpu.memref_squeeze %dma_wait3A_154 : memref<1x1x125x80xi32, #tpu.memory_space<hbm>> -> memref<125x80xi32, #tpu.memory_space<hbm>>
      %dma_wait3A_156 = arith.constant 0 : i32
      %dma_wait3A_157 = arith.constant 0 : i32
      %dma_wait3A_158 = tpu.memref_slice %arg3[%run_scoped3A_5, %add3A, %dma_wait3A_156, %dma_wait3A_157] : memref<2x32x125x80xi32, #tpu.memory_space<hbm>> -> memref<1x1x125x80xi32, #tpu.memory_space<hbm>>
      %dma_wait3A_159 = tpu.memref_squeeze %dma_wait3A_158 : memref<1x1x125x80xi32, #tpu.memory_space<hbm>> -> memref<125x80xi32, #tpu.memory_space<hbm>>
      tpu.wait_dma2 semaphore(%run_scoped3A_143 : memref<!tpu.dma_semaphore, #tpu.memory_space<semaphore_mem>>) src(%dma_wait3A_159 : memref<125x80xi32, #tpu.memory_space<hbm>>) dst(%arg10 : memref<125x80xi32, #tpu.memory_space<vmem>>)
      tpu.yield
    }) : () -> ()
    %barrier3A = arith.constant 0 : index
    tpu.barrier barrier_id(%barrier3A)
    %dma_start3A = arith.constant 0 : i32
    %dma_start3A_6 = arith.constant 0 : i32
    %dma_start3A_7 = tpu.memref_slice %arg9[%dma_start3A, %dma_start3A_6] : memref<125x80xi32, #tpu.memory_space<vmem>> -> memref<1x80xi32, #tpu.memory_space<vmem>>
    %dma_start3A_8 = tpu.memref_squeeze %dma_start3A_7 : memref<1x80xi32, #tpu.memory_space<vmem>> -> memref<80xi32, #tpu.memory_space<vmem>>
    %dma_start3A_9 = arith.constant 0 : i32
    %dma_start3A_10 = arith.constant 0 : i32
    %dma_start3A_11 = tpu.memref_slice %arg2[%dma_start3A_9, %dma_start3A_10] : memref<10000x128xf32, #tpu.memory_space<hbm>> -> memref<10000x128xf32, #tpu.memory_space<hbm>>
    tpu.enqueue_indirect_dma source(%dma_start3A_11 : memref<10000x128xf32, #tpu.memory_space<hbm>>) target(%arg11 : memref<80x128xf32, #tpu.memory_space<vmem>>) offsets(%dma_start3A_8 : memref<80xi32, #tpu.memory_space<vmem>>) semaphore(%arg16 : memref<!tpu.dma_semaphore, #tpu.memory_space<semaphore_mem>>)
    %dma_start3A_12 = arith.constant 1 : i32
    %dma_start3A_13 = arith.constant 0 : i32
    %dma_start3A_14 = tpu.memref_slice %arg9[%dma_start3A_12, %dma_start3A_13] : memref<125x80xi32, #tpu.memory_space<vmem>> -> memref<1x80xi32, #tpu.memory_space<vmem>>
    %dma_start3A_15 = tpu.memref_squeeze %dma_start3A_14 : memref<1x80xi32, #tpu.memory_space<vmem>> -> memref<80xi32, #tpu.memory_space<vmem>>
    %dma_start3A_16 = arith.constant 0 : i32
    %dma_start3A_17 = arith.constant 0 : i32
    %dma_start3A_18 = tpu.memref_slice %arg2[%dma_start3A_16, %dma_start3A_17] : memref<10000x128xf32, #tpu.memory_space<hbm>> -> memref<10000x128xf32, #tpu.memory_space<hbm>>
    tpu.enqueue_indirect_dma source(%dma_start3A_18 : memref<10000x128xf32, #tpu.memory_space<hbm>>) target(%arg12 : memref<80x128xf32, #tpu.memory_space<vmem>>) offsets(%dma_start3A_15 : memref<80xi32, #tpu.memory_space<vmem>>) semaphore(%arg17 : memref<!tpu.dma_semaphore, #tpu.memory_space<semaphore_mem>>)
    %scan3A = arith.constant 0 : i32
    %scan3A_19 = arith.constant 61 : i32
    %scan3A_20 = arith.addi %scan3A, %scan3A_19 : i32
    %scan3A_21 = arith.constant 1 : i32
    scf.for %scan3A_143 = %scan3A to %scan3A_20 step %scan3A_21  : i32 {
      %mul3A_144 = arith.constant 1 : i32
      %mul3A_145 = arith.muli %scan3A_143, %mul3A_144 : i32
      %add3A_146 = arith.constant 0 : i32
      %add3A_147 = arith.addi %add3A_146, %mul3A_145 : i32
      %mul3A_148 = arith.constant 2 : i32
      %mul3A_149 = arith.muli %add3A_147, %mul3A_148 : i32
      %add3A_150 = arith.constant 0 : i32
      %add3A_151 = arith.addi %mul3A_149, %add3A_150 : i32
      %dma_wait3A_152 = arith.constant 0 : i32
      %dma_wait3A_153 = arith.constant 0 : i32
      %dma_wait3A_154 = tpu.memref_slice %arg9[%dma_wait3A_152, %dma_wait3A_153] : memref<125x80xi32, #tpu.memory_space<vmem>> -> memref<1x80xi32, #tpu.memory_space<vmem>>
      %dma_wait3A_155 = tpu.memref_squeeze %dma_wait3A_154 : memref<1x80xi32, #tpu.memory_space<vmem>> -> memref<80xi32, #tpu.memory_space<vmem>>
      %dma_wait3A_156 = arith.constant 0 : i32
      %dma_wait3A_157 = arith.constant 0 : i32
      %dma_wait3A_158 = tpu.memref_slice %arg2[%dma_wait3A_156, %dma_wait3A_157] : memref<10000x128xf32, #tpu.memory_space<hbm>> -> memref<10000x128xf32, #tpu.memory_space<hbm>>
      tpu.wait_indirect_dma semaphore(%arg16 : memref<!tpu.dma_semaphore, #tpu.memory_space<semaphore_mem>>) src(%dma_wait3A_158 : memref<10000x128xf32, #tpu.memory_space<hbm>>) dst(%arg11 : memref<80x128xf32, #tpu.memory_space<vmem>>)
      %dma_start3A_159 = arith.constant 0 : i32
      %dma_start3A_160 = tpu.memref_slice %arg10[%add3A_151, %dma_start3A_159] : memref<125x80xi32, #tpu.memory_space<vmem>> -> memref<1x80xi32, #tpu.memory_space<vmem>>
      %dma_start3A_161 = tpu.memref_squeeze %dma_start3A_160 : memref<1x80xi32, #tpu.memory_space<vmem>> -> memref<80xi32, #tpu.memory_space<vmem>>
      %dma_start3A_162 = arith.constant 0 : i32
      %dma_start3A_163 = arith.constant 0 : i32
      %dma_start3A_164 = tpu.memref_slice %arg13[%dma_start3A_162, %dma_start3A_163] : memref<10000x128xf32, #tpu.memory_space<vmem_shared>> -> memref<10000x128xf32, #tpu.memory_space<vmem_shared>>
      tpu.enqueue_indirect_dma source(%arg11 : memref<80x128xf32, #tpu.memory_space<vmem>>) target(%dma_start3A_164 : memref<10000x128xf32, #tpu.memory_space<vmem_shared>>) offsets(%dma_start3A_161 : memref<80xi32, #tpu.memory_space<vmem>>) semaphore(%arg18 : memref<!tpu.dma_semaphore, #tpu.memory_space<semaphore_mem>>) {add = true}
      %dma_start3A_165 = arith.constant 0 : i32
      %dma_start3A_166 = tpu.memref_slice %arg10[%add3A_151, %dma_start3A_165] : memref<125x80xi32, #tpu.memory_space<vmem>> -> memref<1x80xi32, #tpu.memory_space<vmem>>
      %dma_start3A_167 = tpu.memref_squeeze %dma_start3A_166 : memref<1x80xi32, #tpu.memory_space<vmem>> -> memref<80xi32, #tpu.memory_space<vmem>>
      %dma_start3A_168 = arith.constant 0 : i32
      %dma_start3A_169 = arith.constant 0 : i32
      %dma_start3A_170 = tpu.memref_slice %arg15[%dma_start3A_168, %dma_start3A_169] : memref<10000x8xf32, #tpu.memory_space<vmem_shared>> -> memref<10000x8xf32, #tpu.memory_space<vmem_shared>>
      tpu.enqueue_indirect_dma source(%arg14 : memref<80x8xf32, #tpu.memory_space<vmem>>) target(%dma_start3A_170 : memref<10000x8xf32, #tpu.memory_space<vmem_shared>>) offsets(%dma_start3A_167 : memref<80xi32, #tpu.memory_space<vmem>>) semaphore(%arg18 : memref<!tpu.dma_semaphore, #tpu.memory_space<semaphore_mem>>) {add = true}
      %dma_wait3A_171 = arith.constant 0 : i32
      %dma_wait3A_172 = arith.constant 0 : i32
      %dma_wait3A_173 = tpu.memref_slice %arg10[%dma_wait3A_171, %dma_wait3A_172] : memref<125x80xi32, #tpu.memory_space<vmem>> -> memref<1x80xi32, #tpu.memory_space<vmem>>
      %dma_wait3A_174 = tpu.memref_squeeze %dma_wait3A_173 : memref<1x80xi32, #tpu.memory_space<vmem>> -> memref<80xi32, #tpu.memory_space<vmem>>
      %dma_wait3A_175 = arith.constant 0 : i32
      %dma_wait3A_176 = arith.constant 0 : i32
      %dma_wait3A_177 = tpu.memref_slice %arg13[%dma_wait3A_175, %dma_wait3A_176] : memref<10000x128xf32, #tpu.memory_space<vmem_shared>> -> memref<10000x128xf32, #tpu.memory_space<vmem_shared>>
      tpu.wait_indirect_dma semaphore(%arg18 : memref<!tpu.dma_semaphore, #tpu.memory_space<semaphore_mem>>) src(%arg11 : memref<80x128xf32, #tpu.memory_space<vmem>>) dst(%dma_wait3A_177 : memref<10000x128xf32, #tpu.memory_space<vmem_shared>>)
      %dma_wait3A_178 = arith.constant 0 : i32
      %dma_wait3A_179 = arith.constant 0 : i32
      %dma_wait3A_180 = tpu.memref_slice %arg10[%dma_wait3A_178, %dma_wait3A_179] : memref<125x80xi32, #tpu.memory_space<vmem>> -> memref<1x80xi32, #tpu.memory_space<vmem>>
      %dma_wait3A_181 = tpu.memref_squeeze %dma_wait3A_180 : memref<1x80xi32, #tpu.memory_space<vmem>> -> memref<80xi32, #tpu.memory_space<vmem>>
      %dma_wait3A_182 = arith.constant 0 : i32
      %dma_wait3A_183 = arith.constant 0 : i32
      %dma_wait3A_184 = tpu.memref_slice %arg15[%dma_wait3A_182, %dma_wait3A_183] : memref<10000x8xf32, #tpu.memory_space<vmem_shared>> -> memref<10000x8xf32, #tpu.memory_space<vmem_shared>>
      tpu.wait_indirect_dma semaphore(%arg18 : memref<!tpu.dma_semaphore, #tpu.memory_space<semaphore_mem>>) src(%arg14 : memref<80x8xf32, #tpu.memory_space<vmem>>) dst(%dma_wait3A_184 : memref<10000x8xf32, #tpu.memory_space<vmem_shared>>)
      %add3A_185 = arith.constant 2 : i32
      %add3A_186 = arith.addi %add3A_151, %add3A_185 : i32
      %dma_start3A_187 = arith.constant 0 : i32
      %dma_start3A_188 = tpu.memref_slice %arg9[%add3A_186, %dma_start3A_187] : memref<125x80xi32, #tpu.memory_space<vmem>> -> memref<1x80xi32, #tpu.memory_space<vmem>>
      %dma_start3A_189 = tpu.memref_squeeze %dma_start3A_188 : memref<1x80xi32, #tpu.memory_space<vmem>> -> memref<80xi32, #tpu.memory_space<vmem>>
      %dma_start3A_190 = arith.constant 0 : i32
      %dma_start3A_191 = arith.constant 0 : i32
      %dma_start3A_192 = tpu.memref_slice %arg2[%dma_start3A_190, %dma_start3A_191] : memref<10000x128xf32, #tpu.memory_space<hbm>> -> memref<10000x128xf32, #tpu.memory_space<hbm>>
      tpu.enqueue_indirect_dma source(%dma_start3A_192 : memref<10000x128xf32, #tpu.memory_space<hbm>>) target(%arg11 : memref<80x128xf32, #tpu.memory_space<vmem>>) offsets(%dma_start3A_189 : memref<80xi32, #tpu.memory_space<vmem>>) semaphore(%arg16 : memref<!tpu.dma_semaphore, #tpu.memory_space<semaphore_mem>>)
      %add3A_193 = arith.constant 1 : i32
      %add3A_194 = arith.addi %mul3A_149, %add3A_193 : i32
      %dma_wait3A_195 = arith.constant 0 : i32
      %dma_wait3A_196 = arith.constant 0 : i32
      %dma_wait3A_197 = tpu.memref_slice %arg9[%dma_wait3A_195, %dma_wait3A_196] : memref<125x80xi32, #tpu.memory_space<vmem>> -> memref<1x80xi32, #tpu.memory_space<vmem>>
      %dma_wait3A_198 = tpu.memref_squeeze %dma_wait3A_197 : memref<1x80xi32, #tpu.memory_space<vmem>> -> memref<80xi32, #tpu.memory_space<vmem>>
      %dma_wait3A_199 = arith.constant 0 : i32
      %dma_wait3A_200 = arith.constant 0 : i32
      %dma_wait3A_201 = tpu.memref_slice %arg2[%dma_wait3A_199, %dma_wait3A_200] : memref<10000x128xf32, #tpu.memory_space<hbm>> -> memref<10000x128xf32, #tpu.memory_space<hbm>>
      tpu.wait_indirect_dma semaphore(%arg17 : memref<!tpu.dma_semaphore, #tpu.memory_space<semaphore_mem>>) src(%dma_wait3A_201 : memref<10000x128xf32, #tpu.memory_space<hbm>>) dst(%arg12 : memref<80x128xf32, #tpu.memory_space<vmem>>)
      %dma_start3A_202 = arith.constant 0 : i32
      %dma_start3A_203 = tpu.memref_slice %arg10[%add3A_194, %dma_start3A_202] : memref<125x80xi32, #tpu.memory_space<vmem>> -> memref<1x80xi32, #tpu.memory_space<vmem>>
      %dma_start3A_204 = tpu.memref_squeeze %dma_start3A_203 : memref<1x80xi32, #tpu.memory_space<vmem>> -> memref<80xi32, #tpu.memory_space<vmem>>
      %dma_start3A_205 = arith.constant 0 : i32
      %dma_start3A_206 = arith.constant 0 : i32
      %dma_start3A_207 = tpu.memref_slice %arg13[%dma_start3A_205, %dma_start3A_206] : memref<10000x128xf32, #tpu.memory_space<vmem_shared>> -> memref<10000x128xf32, #tpu.memory_space<vmem_shared>>
      tpu.enqueue_indirect_dma source(%arg12 : memref<80x128xf32, #tpu.memory_space<vmem>>) target(%dma_start3A_207 : memref<10000x128xf32, #tpu.memory_space<vmem_shared>>) offsets(%dma_start3A_204 : memref<80xi32, #tpu.memory_space<vmem>>) semaphore(%arg19 : memref<!tpu.dma_semaphore, #tpu.memory_space<semaphore_mem>>) {add = true}
      %dma_start3A_208 = arith.constant 0 : i32
      %dma_start3A_209 = tpu.memref_slice %arg10[%add3A_194, %dma_start3A_208] : memref<125x80xi32, #tpu.memory_space<vmem>> -> memref<1x80xi32, #tpu.memory_space<vmem>>
      %dma_start3A_210 = tpu.memref_squeeze %dma_start3A_209 : memref<1x80xi32, #tpu.memory_space<vmem>> -> memref<80xi32, #tpu.memory_space<vmem>>
      %dma_start3A_211 = arith.constant 0 : i32
      %dma_start3A_212 = arith.constant 0 : i32
      %dma_start3A_213 = tpu.memref_slice %arg15[%dma_start3A_211, %dma_start3A_212] : memref<10000x8xf32, #tpu.memory_space<vmem_shared>> -> memref<10000x8xf32, #tpu.memory_space<vmem_shared>>
      tpu.enqueue_indirect_dma source(%arg14 : memref<80x8xf32, #tpu.memory_space<vmem>>) target(%dma_start3A_213 : memref<10000x8xf32, #tpu.memory_space<vmem_shared>>) offsets(%dma_start3A_210 : memref<80xi32, #tpu.memory_space<vmem>>) semaphore(%arg19 : memref<!tpu.dma_semaphore, #tpu.memory_space<semaphore_mem>>) {add = true}
      %dma_wait3A_214 = arith.constant 0 : i32
      %dma_wait3A_215 = arith.constant 0 : i32
      %dma_wait3A_216 = tpu.memref_slice %arg10[%dma_wait3A_214, %dma_wait3A_215] : memref<125x80xi32, #tpu.memory_space<vmem>> -> memref<1x80xi32, #tpu.memory_space<vmem>>
      %dma_wait3A_217 = tpu.memref_squeeze %dma_wait3A_216 : memref<1x80xi32, #tpu.memory_space<vmem>> -> memref<80xi32, #tpu.memory_space<vmem>>
      %dma_wait3A_218 = arith.constant 0 : i32
      %dma_wait3A_219 = arith.constant 0 : i32
      %dma_wait3A_220 = tpu.memref_slice %arg13[%dma_wait3A_218, %dma_wait3A_219] : memref<10000x128xf32, #tpu.memory_space<vmem_shared>> -> memref<10000x128xf32, #tpu.memory_space<vmem_shared>>
      tpu.wait_indirect_dma semaphore(%arg19 : memref<!tpu.dma_semaphore, #tpu.memory_space<semaphore_mem>>) src(%arg12 : memref<80x128xf32, #tpu.memory_space<vmem>>) dst(%dma_wait3A_220 : memref<10000x128xf32, #tpu.memory_space<vmem_shared>>)
      %dma_wait3A_221 = arith.constant 0 : i32
      %dma_wait3A_222 = arith.constant 0 : i32
      %dma_wait3A_223 = tpu.memref_slice %arg10[%dma_wait3A_221, %dma_wait3A_222] : memref<125x80xi32, #tpu.memory_space<vmem>> -> memref<1x80xi32, #tpu.memory_space<vmem>>
      %dma_wait3A_224 = tpu.memref_squeeze %dma_wait3A_223 : memref<1x80xi32, #tpu.memory_space<vmem>> -> memref<80xi32, #tpu.memory_space<vmem>>
      %dma_wait3A_225 = arith.constant 0 : i32
      %dma_wait3A_226 = arith.constant 0 : i32
      %dma_wait3A_227 = tpu.memref_slice %arg15[%dma_wait3A_225, %dma_wait3A_226] : memref<10000x8xf32, #tpu.memory_space<vmem_shared>> -> memref<10000x8xf32, #tpu.memory_space<vmem_shared>>
      tpu.wait_indirect_dma semaphore(%arg19 : memref<!tpu.dma_semaphore, #tpu.memory_space<semaphore_mem>>) src(%arg14 : memref<80x8xf32, #tpu.memory_space<vmem>>) dst(%dma_wait3A_227 : memref<10000x8xf32, #tpu.memory_space<vmem_shared>>)
      %add3A_228 = arith.constant 2 : i32
      %add3A_229 = arith.addi %add3A_194, %add3A_228 : i32
      %dma_start3A_230 = arith.constant 0 : i32
      %dma_start3A_231 = tpu.memref_slice %arg9[%add3A_229, %dma_start3A_230] : memref<125x80xi32, #tpu.memory_space<vmem>> -> memref<1x80xi32, #tpu.memory_space<vmem>>
      %dma_start3A_232 = tpu.memref_squeeze %dma_start3A_231 : memref<1x80xi32, #tpu.memory_space<vmem>> -> memref<80xi32, #tpu.memory_space<vmem>>
      %dma_start3A_233 = arith.constant 0 : i32
      %dma_start3A_234 = arith.constant 0 : i32
      %dma_start3A_235 = tpu.memref_slice %arg2[%dma_start3A_233, %dma_start3A_234] : memref<10000x128xf32, #tpu.memory_space<hbm>> -> memref<10000x128xf32, #tpu.memory_space<hbm>>
      tpu.enqueue_indirect_dma source(%dma_start3A_235 : memref<10000x128xf32, #tpu.memory_space<hbm>>) target(%arg12 : memref<80x128xf32, #tpu.memory_space<vmem>>) offsets(%dma_start3A_232 : memref<80xi32, #tpu.memory_space<vmem>>) semaphore(%arg17 : memref<!tpu.dma_semaphore, #tpu.memory_space<semaphore_mem>>)
    }
    %scan3A_22 = arith.constant 61 : i32
    %dma_wait3A = arith.constant 0 : i32
    %dma_wait3A_23 = arith.constant 0 : i32
    %dma_wait3A_24 = tpu.memref_slice %arg9[%dma_wait3A, %dma_wait3A_23] : memref<125x80xi32, #tpu.memory_space<vmem>> -> memref<1x80xi32, #tpu.memory_space<vmem>>
    %dma_wait3A_25 = tpu.memref_squeeze %dma_wait3A_24 : memref<1x80xi32, #tpu.memory_space<vmem>> -> memref<80xi32, #tpu.memory_space<vmem>>
    %dma_wait3A_26 = arith.constant 0 : i32
    %dma_wait3A_27 = arith.constant 0 : i32
    %dma_wait3A_28 = tpu.memref_slice %arg2[%dma_wait3A_26, %dma_wait3A_27] : memref<10000x128xf32, #tpu.memory_space<hbm>> -> memref<10000x128xf32, #tpu.memory_space<hbm>>
    tpu.wait_indirect_dma semaphore(%arg16 : memref<!tpu.dma_semaphore, #tpu.memory_space<semaphore_mem>>) src(%dma_wait3A_28 : memref<10000x128xf32, #tpu.memory_space<hbm>>) dst(%arg11 : memref<80x128xf32, #tpu.memory_space<vmem>>)
    %dma_start3A_29 = arith.constant 122 : i32
    %dma_start3A_30 = arith.constant 0 : i32
    %dma_start3A_31 = tpu.memref_slice %arg10[%dma_start3A_29, %dma_start3A_30] : memref<125x80xi32, #tpu.memory_space<vmem>> -> memref<1x80xi32, #tpu.memory_space<vmem>>
    %dma_start3A_32 = tpu.memref_squeeze %dma_start3A_31 : memref<1x80xi32, #tpu.memory_space<vmem>> -> memref<80xi32, #tpu.memory_space<vmem>>
    %dma_start3A_33 = arith.constant 0 : i32
    %dma_start3A_34 = arith.constant 0 : i32
    %dma_start3A_35 = tpu.memref_slice %arg13[%dma_start3A_33, %dma_start3A_34] : memref<10000x128xf32, #tpu.memory_space<vmem_shared>> -> memref<10000x128xf32, #tpu.memory_space<vmem_shared>>
    tpu.enqueue_indirect_dma source(%arg11 : memref<80x128xf32, #tpu.memory_space<vmem>>) target(%dma_start3A_35 : memref<10000x128xf32, #tpu.memory_space<vmem_shared>>) offsets(%dma_start3A_32 : memref<80xi32, #tpu.memory_space<vmem>>) semaphore(%arg18 : memref<!tpu.dma_semaphore, #tpu.memory_space<semaphore_mem>>) {add = true}
    %dma_start3A_36 = arith.constant 122 : i32
    %dma_start3A_37 = arith.constant 0 : i32
    %dma_start3A_38 = tpu.memref_slice %arg10[%dma_start3A_36, %dma_start3A_37] : memref<125x80xi32, #tpu.memory_space<vmem>> -> memref<1x80xi32, #tpu.memory_space<vmem>>
    %dma_start3A_39 = tpu.memref_squeeze %dma_start3A_38 : memref<1x80xi32, #tpu.memory_space<vmem>> -> memref<80xi32, #tpu.memory_space<vmem>>
    %dma_start3A_40 = arith.constant 0 : i32
    %dma_start3A_41 = arith.constant 0 : i32
    %dma_start3A_42 = tpu.memref_slice %arg15[%dma_start3A_40, %dma_start3A_41] : memref<10000x8xf32, #tpu.memory_space<vmem_shared>> -> memref<10000x8xf32, #tpu.memory_space<vmem_shared>>
    tpu.enqueue_indirect_dma source(%arg14 : memref<80x8xf32, #tpu.memory_space<vmem>>) target(%dma_start3A_42 : memref<10000x8xf32, #tpu.memory_space<vmem_shared>>) offsets(%dma_start3A_39 : memref<80xi32, #tpu.memory_space<vmem>>) semaphore(%arg18 : memref<!tpu.dma_semaphore, #tpu.memory_space<semaphore_mem>>) {add = true}
    %dma_wait3A_43 = arith.constant 0 : i32
    %dma_wait3A_44 = arith.constant 0 : i32
    %dma_wait3A_45 = tpu.memref_slice %arg10[%dma_wait3A_43, %dma_wait3A_44] : memref<125x80xi32, #tpu.memory_space<vmem>> -> memref<1x80xi32, #tpu.memory_space<vmem>>
    %dma_wait3A_46 = tpu.memref_squeeze %dma_wait3A_45 : memref<1x80xi32, #tpu.memory_space<vmem>> -> memref<80xi32, #tpu.memory_space<vmem>>
    %dma_wait3A_47 = arith.constant 0 : i32
    %dma_wait3A_48 = arith.constant 0 : i32
    %dma_wait3A_49 = tpu.memref_slice %arg13[%dma_wait3A_47, %dma_wait3A_48] : memref<10000x128xf32, #tpu.memory_space<vmem_shared>> -> memref<10000x128xf32, #tpu.memory_space<vmem_shared>>
    tpu.wait_indirect_dma semaphore(%arg18 : memref<!tpu.dma_semaphore, #tpu.memory_space<semaphore_mem>>) src(%arg11 : memref<80x128xf32, #tpu.memory_space<vmem>>) dst(%dma_wait3A_49 : memref<10000x128xf32, #tpu.memory_space<vmem_shared>>)
    %dma_wait3A_50 = arith.constant 0 : i32
    %dma_wait3A_51 = arith.constant 0 : i32
    %dma_wait3A_52 = tpu.memref_slice %arg10[%dma_wait3A_50, %dma_wait3A_51] : memref<125x80xi32, #tpu.memory_space<vmem>> -> memref<1x80xi32, #tpu.memory_space<vmem>>
    %dma_wait3A_53 = tpu.memref_squeeze %dma_wait3A_52 : memref<1x80xi32, #tpu.memory_space<vmem>> -> memref<80xi32, #tpu.memory_space<vmem>>
    %dma_wait3A_54 = arith.constant 0 : i32
    %dma_wait3A_55 = arith.constant 0 : i32
    %dma_wait3A_56 = tpu.memref_slice %arg15[%dma_wait3A_54, %dma_wait3A_55] : memref<10000x8xf32, #tpu.memory_space<vmem_shared>> -> memref<10000x8xf32, #tpu.memory_space<vmem_shared>>
    tpu.wait_indirect_dma semaphore(%arg18 : memref<!tpu.dma_semaphore, #tpu.memory_space<semaphore_mem>>) src(%arg14 : memref<80x8xf32, #tpu.memory_space<vmem>>) dst(%dma_wait3A_56 : memref<10000x8xf32, #tpu.memory_space<vmem_shared>>)
    %dma_start3A_57 = arith.constant 124 : i32
    %dma_start3A_58 = arith.constant 0 : i32
    %dma_start3A_59 = tpu.memref_slice %arg9[%dma_start3A_57, %dma_start3A_58] : memref<125x80xi32, #tpu.memory_space<vmem>> -> memref<1x80xi32, #tpu.memory_space<vmem>>
    %dma_start3A_60 = tpu.memref_squeeze %dma_start3A_59 : memref<1x80xi32, #tpu.memory_space<vmem>> -> memref<80xi32, #tpu.memory_space<vmem>>
    %dma_start3A_61 = arith.constant 0 : i32
    %dma_start3A_62 = arith.constant 0 : i32
    %dma_start3A_63 = tpu.memref_slice %arg2[%dma_start3A_61, %dma_start3A_62] : memref<10000x128xf32, #tpu.memory_space<hbm>> -> memref<10000x128xf32, #tpu.memory_space<hbm>>
    tpu.enqueue_indirect_dma source(%dma_start3A_63 : memref<10000x128xf32, #tpu.memory_space<hbm>>) target(%arg11 : memref<80x128xf32, #tpu.memory_space<vmem>>) offsets(%dma_start3A_60 : memref<80xi32, #tpu.memory_space<vmem>>) semaphore(%arg16 : memref<!tpu.dma_semaphore, #tpu.memory_space<semaphore_mem>>)
    %dma_wait3A_64 = arith.constant 0 : i32
    %dma_wait3A_65 = arith.constant 0 : i32
    %dma_wait3A_66 = tpu.memref_slice %arg9[%dma_wait3A_64, %dma_wait3A_65] : memref<125x80xi32, #tpu.memory_space<vmem>> -> memref<1x80xi32, #tpu.memory_space<vmem>>
    %dma_wait3A_67 = tpu.memref_squeeze %dma_wait3A_66 : memref<1x80xi32, #tpu.memory_space<vmem>> -> memref<80xi32, #tpu.memory_space<vmem>>
    %dma_wait3A_68 = arith.constant 0 : i32
    %dma_wait3A_69 = arith.constant 0 : i32
    %dma_wait3A_70 = tpu.memref_slice %arg2[%dma_wait3A_68, %dma_wait3A_69] : memref<10000x128xf32, #tpu.memory_space<hbm>> -> memref<10000x128xf32, #tpu.memory_space<hbm>>
    tpu.wait_indirect_dma semaphore(%arg17 : memref<!tpu.dma_semaphore, #tpu.memory_space<semaphore_mem>>) src(%dma_wait3A_70 : memref<10000x128xf32, #tpu.memory_space<hbm>>) dst(%arg12 : memref<80x128xf32, #tpu.memory_space<vmem>>)
    %dma_start3A_71 = arith.constant 123 : i32
    %dma_start3A_72 = arith.constant 0 : i32
    %dma_start3A_73 = tpu.memref_slice %arg10[%dma_start3A_71, %dma_start3A_72] : memref<125x80xi32, #tpu.memory_space<vmem>> -> memref<1x80xi32, #tpu.memory_space<vmem>>
    %dma_start3A_74 = tpu.memref_squeeze %dma_start3A_73 : memref<1x80xi32, #tpu.memory_space<vmem>> -> memref<80xi32, #tpu.memory_space<vmem>>
    %dma_start3A_75 = arith.constant 0 : i32
    %dma_start3A_76 = arith.constant 0 : i32
    %dma_start3A_77 = tpu.memref_slice %arg13[%dma_start3A_75, %dma_start3A_76] : memref<10000x128xf32, #tpu.memory_space<vmem_shared>> -> memref<10000x128xf32, #tpu.memory_space<vmem_shared>>
    tpu.enqueue_indirect_dma source(%arg12 : memref<80x128xf32, #tpu.memory_space<vmem>>) target(%dma_start3A_77 : memref<10000x128xf32, #tpu.memory_space<vmem_shared>>) offsets(%dma_start3A_74 : memref<80xi32, #tpu.memory_space<vmem>>) semaphore(%arg19 : memref<!tpu.dma_semaphore, #tpu.memory_space<semaphore_mem>>) {add = true}
    %dma_start3A_78 = arith.constant 123 : i32
    %dma_start3A_79 = arith.constant 0 : i32
    %dma_start3A_80 = tpu.memref_slice %arg10[%dma_start3A_78, %dma_start3A_79] : memref<125x80xi32, #tpu.memory_space<vmem>> -> memref<1x80xi32, #tpu.memory_space<vmem>>
    %dma_start3A_81 = tpu.memref_squeeze %dma_start3A_80 : memref<1x80xi32, #tpu.memory_space<vmem>> -> memref<80xi32, #tpu.memory_space<vmem>>
    %dma_start3A_82 = arith.constant 0 : i32
    %dma_start3A_83 = arith.constant 0 : i32
    %dma_start3A_84 = tpu.memref_slice %arg15[%dma_start3A_82, %dma_start3A_83] : memref<10000x8xf32, #tpu.memory_space<vmem_shared>> -> memref<10000x8xf32, #tpu.memory_space<vmem_shared>>
    tpu.enqueue_indirect_dma source(%arg14 : memref<80x8xf32, #tpu.memory_space<vmem>>) target(%dma_start3A_84 : memref<10000x8xf32, #tpu.memory_space<vmem_shared>>) offsets(%dma_start3A_81 : memref<80xi32, #tpu.memory_space<vmem>>) semaphore(%arg19 : memref<!tpu.dma_semaphore, #tpu.memory_space<semaphore_mem>>) {add = true}
    %dma_wait3A_85 = arith.constant 0 : i32
    %dma_wait3A_86 = arith.constant 0 : i32
    %dma_wait3A_87 = tpu.memref_slice %arg10[%dma_wait3A_85, %dma_wait3A_86] : memref<125x80xi32, #tpu.memory_space<vmem>> -> memref<1x80xi32, #tpu.memory_space<vmem>>
    %dma_wait3A_88 = tpu.memref_squeeze %dma_wait3A_87 : memref<1x80xi32, #tpu.memory_space<vmem>> -> memref<80xi32, #tpu.memory_space<vmem>>
    %dma_wait3A_89 = arith.constant 0 : i32
    %dma_wait3A_90 = arith.constant 0 : i32
    %dma_wait3A_91 = tpu.memref_slice %arg13[%dma_wait3A_89, %dma_wait3A_90] : memref<10000x128xf32, #tpu.memory_space<vmem_shared>> -> memref<10000x128xf32, #tpu.memory_space<vmem_shared>>
    tpu.wait_indirect_dma semaphore(%arg19 : memref<!tpu.dma_semaphore, #tpu.memory_space<semaphore_mem>>) src(%arg12 : memref<80x128xf32, #tpu.memory_space<vmem>>) dst(%dma_wait3A_91 : memref<10000x128xf32, #tpu.memory_space<vmem_shared>>)
    %dma_wait3A_92 = arith.constant 0 : i32
    %dma_wait3A_93 = arith.constant 0 : i32
    %dma_wait3A_94 = tpu.memref_slice %arg10[%dma_wait3A_92, %dma_wait3A_93] : memref<125x80xi32, #tpu.memory_space<vmem>> -> memref<1x80xi32, #tpu.memory_space<vmem>>
    %dma_wait3A_95 = tpu.memref_squeeze %dma_wait3A_94 : memref<1x80xi32, #tpu.memory_space<vmem>> -> memref<80xi32, #tpu.memory_space<vmem>>
    %dma_wait3A_96 = arith.constant 0 : i32
    %dma_wait3A_97 = arith.constant 0 : i32
    %dma_wait3A_98 = tpu.memref_slice %arg15[%dma_wait3A_96, %dma_wait3A_97] : memref<10000x8xf32, #tpu.memory_space<vmem_shared>> -> memref<10000x8xf32, #tpu.memory_space<vmem_shared>>
    tpu.wait_indirect_dma semaphore(%arg19 : memref<!tpu.dma_semaphore, #tpu.memory_space<semaphore_mem>>) src(%arg14 : memref<80x8xf32, #tpu.memory_space<vmem>>) dst(%dma_wait3A_98 : memref<10000x8xf32, #tpu.memory_space<vmem_shared>>)
    %dma_wait3A_99 = arith.constant 0 : i32
    %dma_wait3A_100 = arith.constant 0 : i32
    %dma_wait3A_101 = tpu.memref_slice %arg9[%dma_wait3A_99, %dma_wait3A_100] : memref<125x80xi32, #tpu.memory_space<vmem>> -> memref<1x80xi32, #tpu.memory_space<vmem>>
    %dma_wait3A_102 = tpu.memref_squeeze %dma_wait3A_101 : memref<1x80xi32, #tpu.memory_space<vmem>> -> memref<80xi32, #tpu.memory_space<vmem>>
    %dma_wait3A_103 = arith.constant 0 : i32
    %dma_wait3A_104 = arith.constant 0 : i32
    %dma_wait3A_105 = tpu.memref_slice %arg2[%dma_wait3A_103, %dma_wait3A_104] : memref<10000x128xf32, #tpu.memory_space<hbm>> -> memref<10000x128xf32, #tpu.memory_space<hbm>>
    tpu.wait_indirect_dma semaphore(%arg16 : memref<!tpu.dma_semaphore, #tpu.memory_space<semaphore_mem>>) src(%dma_wait3A_105 : memref<10000x128xf32, #tpu.memory_space<hbm>>) dst(%arg11 : memref<80x128xf32, #tpu.memory_space<vmem>>)
    %dma_start3A_106 = arith.constant 124 : i32
    %dma_start3A_107 = arith.constant 0 : i32
    %dma_start3A_108 = tpu.memref_slice %arg10[%dma_start3A_106, %dma_start3A_107] : memref<125x80xi32, #tpu.memory_space<vmem>> -> memref<1x80xi32, #tpu.memory_space<vmem>>
    %dma_start3A_109 = tpu.memref_squeeze %dma_start3A_108 : memref<1x80xi32, #tpu.memory_space<vmem>> -> memref<80xi32, #tpu.memory_space<vmem>>
    %dma_start3A_110 = arith.constant 0 : i32
    %dma_start3A_111 = arith.constant 0 : i32
    %dma_start3A_112 = tpu.memref_slice %arg13[%dma_start3A_110, %dma_start3A_111] : memref<10000x128xf32, #tpu.memory_space<vmem_shared>> -> memref<10000x128xf32, #tpu.memory_space<vmem_shared>>
    tpu.enqueue_indirect_dma source(%arg11 : memref<80x128xf32, #tpu.memory_space<vmem>>) target(%dma_start3A_112 : memref<10000x128xf32, #tpu.memory_space<vmem_shared>>) offsets(%dma_start3A_109 : memref<80xi32, #tpu.memory_space<vmem>>) semaphore(%arg18 : memref<!tpu.dma_semaphore, #tpu.memory_space<semaphore_mem>>) {add = true}
    %dma_start3A_113 = arith.constant 124 : i32
    %dma_start3A_114 = arith.constant 0 : i32
    %dma_start3A_115 = tpu.memref_slice %arg10[%dma_start3A_113, %dma_start3A_114] : memref<125x80xi32, #tpu.memory_space<vmem>> -> memref<1x80xi32, #tpu.memory_space<vmem>>
    %dma_start3A_116 = tpu.memref_squeeze %dma_start3A_115 : memref<1x80xi32, #tpu.memory_space<vmem>> -> memref<80xi32, #tpu.memory_space<vmem>>
    %dma_start3A_117 = arith.constant 0 : i32
    %dma_start3A_118 = arith.constant 0 : i32
    %dma_start3A_119 = tpu.memref_slice %arg15[%dma_start3A_117, %dma_start3A_118] : memref<10000x8xf32, #tpu.memory_space<vmem_shared>> -> memref<10000x8xf32, #tpu.memory_space<vmem_shared>>
    tpu.enqueue_indirect_dma source(%arg14 : memref<80x8xf32, #tpu.memory_space<vmem>>) target(%dma_start3A_119 : memref<10000x8xf32, #tpu.memory_space<vmem_shared>>) offsets(%dma_start3A_116 : memref<80xi32, #tpu.memory_space<vmem>>) semaphore(%arg18 : memref<!tpu.dma_semaphore, #tpu.memory_space<semaphore_mem>>) {add = true}
    %dma_wait3A_120 = arith.constant 0 : i32
    %dma_wait3A_121 = arith.constant 0 : i32
    %dma_wait3A_122 = tpu.memref_slice %arg10[%dma_wait3A_120, %dma_wait3A_121] : memref<125x80xi32, #tpu.memory_space<vmem>> -> memref<1x80xi32, #tpu.memory_space<vmem>>
    %dma_wait3A_123 = tpu.memref_squeeze %dma_wait3A_122 : memref<1x80xi32, #tpu.memory_space<vmem>> -> memref<80xi32, #tpu.memory_space<vmem>>
    %dma_wait3A_124 = arith.constant 0 : i32
    %dma_wait3A_125 = arith.constant 0 : i32
    %dma_wait3A_126 = tpu.memref_slice %arg13[%dma_wait3A_124, %dma_wait3A_125] : memref<10000x128xf32, #tpu.memory_space<vmem_shared>> -> memref<10000x128xf32, #tpu.memory_space<vmem_shared>>
    tpu.wait_indirect_dma semaphore(%arg18 : memref<!tpu.dma_semaphore, #tpu.memory_space<semaphore_mem>>) src(%arg11 : memref<80x128xf32, #tpu.memory_space<vmem>>) dst(%dma_wait3A_126 : memref<10000x128xf32, #tpu.memory_space<vmem_shared>>)
    %dma_wait3A_127 = arith.constant 0 : i32
    %dma_wait3A_128 = arith.constant 0 : i32
    %dma_wait3A_129 = tpu.memref_slice %arg10[%dma_wait3A_127, %dma_wait3A_128] : memref<125x80xi32, #tpu.memory_space<vmem>> -> memref<1x80xi32, #tpu.memory_space<vmem>>
    %dma_wait3A_130 = tpu.memref_squeeze %dma_wait3A_129 : memref<1x80xi32, #tpu.memory_space<vmem>> -> memref<80xi32, #tpu.memory_space<vmem>>
    %dma_wait3A_131 = arith.constant 0 : i32
    %dma_wait3A_132 = arith.constant 0 : i32
    %dma_wait3A_133 = tpu.memref_slice %arg15[%dma_wait3A_131, %dma_wait3A_132] : memref<10000x8xf32, #tpu.memory_space<vmem_shared>> -> memref<10000x8xf32, #tpu.memory_space<vmem_shared>>
    tpu.wait_indirect_dma semaphore(%arg18 : memref<!tpu.dma_semaphore, #tpu.memory_space<semaphore_mem>>) src(%arg14 : memref<80x8xf32, #tpu.memory_space<vmem>>) dst(%dma_wait3A_133 : memref<10000x8xf32, #tpu.memory_space<vmem_shared>>)
    %barrier3A_134 = arith.constant 0 : index
    tpu.barrier barrier_id(%barrier3A_134)
    %mul3A_135 = arith.constant 625 : i32
    %mul3A_136 = arith.muli %arg1, %mul3A_135 : i32
    %mul3A_137 = arith.constant 625 : i32
    %mul3A_138 = arith.muli %arg1, %mul3A_137 : i32
    "tpu.region"() ({
      %run_scoped3A_143 = tpu.sem_alloc : memref<!tpu.dma_semaphore, #tpu.memory_space<semaphore_mem>>
      %dma_start3A_144 = arith.constant 0 : i32
      %dma_start3A_145 = tpu.memref_slice %arg7[%arg0, %mul3A_138, %dma_start3A_144] : memref<2x10000x128xf32, #tpu.memory_space<hbm>> -> memref<1x625x128xf32, #tpu.memory_space<hbm>>
      %dma_start3A_146 = tpu.memref_squeeze %dma_start3A_145 : memref<1x625x128xf32, #tpu.memory_space<hbm>> -> memref<625x128xf32, #tpu.memory_space<hbm>>
      %dma_start3A_147 = arith.constant 0 : i32
      %dma_start3A_148 = tpu.memref_slice %arg13[%mul3A_136, %dma_start3A_147] : memref<10000x128xf32, #tpu.memory_space<vmem_shared>> -> memref<625x128xf32, #tpu.memory_space<vmem_shared>>
      tpu.enqueue_dma source(%dma_start3A_148 : memref<625x128xf32, #tpu.memory_space<vmem_shared>>) target(%dma_start3A_146 : memref<625x128xf32, #tpu.memory_space<hbm>>) target_semaphore(%run_scoped3A_143 : memref<!tpu.dma_semaphore, #tpu.memory_space<semaphore_mem>>)
      %dma_wait3A_149 = arith.constant 0 : i32
      %dma_wait3A_150 = tpu.memref_slice %arg7[%arg0, %mul3A_138, %dma_wait3A_149] : memref<2x10000x128xf32, #tpu.memory_space<hbm>> -> memref<1x625x128xf32, #tpu.memory_space<hbm>>
      %dma_wait3A_151 = tpu.memref_squeeze %dma_wait3A_150 : memref<1x625x128xf32, #tpu.memory_space<hbm>> -> memref<625x128xf32, #tpu.memory_space<hbm>>
      %dma_wait3A_152 = arith.constant 0 : i32
      %dma_wait3A_153 = tpu.memref_slice %arg13[%mul3A_136, %dma_wait3A_152] : memref<10000x128xf32, #tpu.memory_space<vmem_shared>> -> memref<625x128xf32, #tpu.memory_space<vmem_shared>>
      tpu.wait_dma2 semaphore(%run_scoped3A_143 : memref<!tpu.dma_semaphore, #tpu.memory_space<semaphore_mem>>) src(%dma_wait3A_153 : memref<625x128xf32, #tpu.memory_space<vmem_shared>>) dst(%dma_wait3A_151 : memref<625x128xf32, #tpu.memory_space<hbm>>)
      tpu.yield
    }) : () -> ()
    %mul3A_139 = arith.constant 625 : i32
    %mul3A_140 = arith.muli %arg1, %mul3A_139 : i32
    %mul3A_141 = arith.constant 625 : i32
    %mul3A_142 = arith.muli %arg1, %mul3A_141 : i32
    "tpu.region"() ({
      %run_scoped3A_143 = tpu.sem_alloc : memref<!tpu.dma_semaphore, #tpu.memory_space<semaphore_mem>>
      %dma_start3A_144 = arith.constant 0 : i32
      %dma_start3A_145 = tpu.memref_slice %arg8[%arg0, %mul3A_142, %dma_start3A_144] : memref<2x10000x8xf32, #tpu.memory_space<hbm>> -> memref<1x625x8xf32, #tpu.memory_space<hbm>>
      %dma_start3A_146 = tpu.memref_squeeze %dma_start3A_145 : memref<1x625x8xf32, #tpu.memory_space<hbm>> -> memref<625x8xf32, #tpu.memory_space<hbm>>
      %dma_start3A_147 = arith.constant 0 : i32
      %dma_start3A_148 = tpu.memref_slice %arg15[%mul3A_140, %dma_start3A_147] : memref<10000x8xf32, #tpu.memory_space<vmem_shared>> -> memref<625x8xf32, #tpu.memory_space<vmem_shared>>
      tpu.enqueue_dma source(%dma_start3A_148 : memref<625x8xf32, #tpu.memory_space<vmem_shared>>) target(%dma_start3A_146 : memref<625x8xf32, #tpu.memory_space<hbm>>) target_semaphore(%run_scoped3A_143 : memref<!tpu.dma_semaphore, #tpu.memory_space<semaphore_mem>>)
      %dma_wait3A_149 = arith.constant 0 : i32
      %dma_wait3A_150 = tpu.memref_slice %arg8[%arg0, %mul3A_142, %dma_wait3A_149] : memref<2x10000x8xf32, #tpu.memory_space<hbm>> -> memref<1x625x8xf32, #tpu.memory_space<hbm>>
      %dma_wait3A_151 = tpu.memref_squeeze %dma_wait3A_150 : memref<1x625x8xf32, #tpu.memory_space<hbm>> -> memref<625x8xf32, #tpu.memory_space<hbm>>
      %dma_wait3A_152 = arith.constant 0 : i32
      %dma_wait3A_153 = tpu.memref_slice %arg15[%mul3A_140, %dma_wait3A_152] : memref<10000x8xf32, #tpu.memory_space<vmem_shared>> -> memref<625x8xf32, #tpu.memory_space<vmem_shared>>
      tpu.wait_dma2 semaphore(%run_scoped3A_143 : memref<!tpu.dma_semaphore, #tpu.memory_space<semaphore_mem>>) src(%dma_wait3A_153 : memref<625x8xf32, #tpu.memory_space<vmem_shared>>) dst(%dma_wait3A_151 : memref<625x8xf32, #tpu.memory_space<hbm>>)
      tpu.yield
    }) : () -> ()
    return
  }
}

#map = affine_map<(d0, d1) -> (0, 0)>
#map1 = affine_map<(d0, d1) -> (0, 0, 0, 0)>
#map2 = affine_map<(d0, d1) -> (0, 0, 0)>
module attributes {stable_mosaic.version = 14 : i64} {
  func.func @sc_pass(%arg0: i32, %arg1: i32, %arg2: memref<10000x64xf32, #tpu.memory_space<hbm>>, %arg3: memref<2x32x125x80xi32, #tpu.memory_space<hbm>>, %arg4: memref<625x64xf32, #tpu.memory_space<hbm>>, %arg5: memref<2x10000x64xf32, #tpu.memory_space<hbm>>, %arg6: memref<125x80xi32, #tpu.memory_space<vmem>>, %arg7: memref<125x80xi32, #tpu.memory_space<vmem>>, %arg8: memref<80x64xf32, #tpu.memory_space<vmem>>, %arg9: memref<80x64xf32, #tpu.memory_space<vmem>>, %arg10: memref<10000x64xf32, #tpu.memory_space<vmem_shared>>, %arg11: memref<!tpu.dma_semaphore, #tpu.memory_space<semaphore_mem>>, %arg12: memref<!tpu.dma_semaphore, #tpu.memory_space<semaphore_mem>>, %arg13: memref<!tpu.dma_semaphore, #tpu.memory_space<semaphore_mem>>, %arg14: memref<!tpu.dma_semaphore, #tpu.memory_space<semaphore_mem>>) attributes {dimension_semantics = [#tpu.dimension_semantics<core_parallel>, #tpu.dimension_semantics<subcore_parallel>], iteration_bounds = array<i64: 2, 16>, scalar_prefetch = 0 : i64, scratch_operands = 9 : i64, tpu.core_type = #tpu.core_type<sc_vector_subcore>, window_params = [{transform_indices = #map}, {transform_indices = #map1}, {transform_indices = #map}, {transform_indices = #map2}]} {
    %mul3A = arith.constant 16 : i32
    %mul3A_0 = arith.muli %arg0, %mul3A : i32
    %add3A = arith.addi %mul3A_0, %arg1 : i32
    %mul3A_1 = arith.constant 625 : i32
    %mul3A_2 = arith.muli %arg1, %mul3A_1 : i32
    "tpu.region"() ({
      %run_scoped3A_95 = tpu.sem_alloc : memref<!tpu.dma_semaphore, #tpu.memory_space<semaphore_mem>>
      %dma_start3A_96 = arith.constant 0 : i32
      %dma_start3A_97 = tpu.memref_slice %arg10[%mul3A_2, %dma_start3A_96] : memref<10000x64xf32, #tpu.memory_space<vmem_shared>> -> memref<625x64xf32, #tpu.memory_space<vmem_shared>>
      tpu.enqueue_dma source(%arg4 : memref<625x64xf32, #tpu.memory_space<hbm>>) target(%dma_start3A_97 : memref<625x64xf32, #tpu.memory_space<vmem_shared>>) target_semaphore(%run_scoped3A_95 : memref<!tpu.dma_semaphore, #tpu.memory_space<semaphore_mem>>)
      %dma_wait3A_98 = arith.constant 0 : i32
      %dma_wait3A_99 = tpu.memref_slice %arg10[%mul3A_2, %dma_wait3A_98] : memref<10000x64xf32, #tpu.memory_space<vmem_shared>> -> memref<625x64xf32, #tpu.memory_space<vmem_shared>>
      tpu.wait_dma2 semaphore(%run_scoped3A_95 : memref<!tpu.dma_semaphore, #tpu.memory_space<semaphore_mem>>) src(%arg4 : memref<625x64xf32, #tpu.memory_space<hbm>>) dst(%dma_wait3A_99 : memref<625x64xf32, #tpu.memory_space<vmem_shared>>)
      tpu.yield
    }) : () -> ()
    %run_scoped3A = arith.constant 0 : i32
    "tpu.region"() ({
      %run_scoped3A_95 = tpu.sem_alloc : memref<!tpu.dma_semaphore, #tpu.memory_space<semaphore_mem>>
      %dma_start3A_96 = arith.constant 0 : i32
      %dma_start3A_97 = arith.constant 0 : i32
      %dma_start3A_98 = tpu.memref_slice %arg3[%run_scoped3A, %add3A, %dma_start3A_96, %dma_start3A_97] : memref<2x32x125x80xi32, #tpu.memory_space<hbm>> -> memref<1x1x125x80xi32, #tpu.memory_space<hbm>>
      %dma_start3A_99 = tpu.memref_squeeze %dma_start3A_98 : memref<1x1x125x80xi32, #tpu.memory_space<hbm>> -> memref<125x80xi32, #tpu.memory_space<hbm>>
      %dma_start3A_100 = arith.constant 0 : i32
      %dma_start3A_101 = arith.constant 0 : i32
      %dma_start3A_102 = tpu.memref_slice %arg3[%run_scoped3A, %add3A, %dma_start3A_100, %dma_start3A_101] : memref<2x32x125x80xi32, #tpu.memory_space<hbm>> -> memref<1x1x125x80xi32, #tpu.memory_space<hbm>>
      %dma_start3A_103 = tpu.memref_squeeze %dma_start3A_102 : memref<1x1x125x80xi32, #tpu.memory_space<hbm>> -> memref<125x80xi32, #tpu.memory_space<hbm>>
      tpu.enqueue_dma source(%dma_start3A_103 : memref<125x80xi32, #tpu.memory_space<hbm>>) target(%arg6 : memref<125x80xi32, #tpu.memory_space<vmem>>) target_semaphore(%run_scoped3A_95 : memref<!tpu.dma_semaphore, #tpu.memory_space<semaphore_mem>>)
      %dma_wait3A_104 = arith.constant 0 : i32
      %dma_wait3A_105 = arith.constant 0 : i32
      %dma_wait3A_106 = tpu.memref_slice %arg3[%run_scoped3A, %add3A, %dma_wait3A_104, %dma_wait3A_105] : memref<2x32x125x80xi32, #tpu.memory_space<hbm>> -> memref<1x1x125x80xi32, #tpu.memory_space<hbm>>
      %dma_wait3A_107 = tpu.memref_squeeze %dma_wait3A_106 : memref<1x1x125x80xi32, #tpu.memory_space<hbm>> -> memref<125x80xi32, #tpu.memory_space<hbm>>
      %dma_wait3A_108 = arith.constant 0 : i32
      %dma_wait3A_109 = arith.constant 0 : i32
      %dma_wait3A_110 = tpu.memref_slice %arg3[%run_scoped3A, %add3A, %dma_wait3A_108, %dma_wait3A_109] : memref<2x32x125x80xi32, #tpu.memory_space<hbm>> -> memref<1x1x125x80xi32, #tpu.memory_space<hbm>>
      %dma_wait3A_111 = tpu.memref_squeeze %dma_wait3A_110 : memref<1x1x125x80xi32, #tpu.memory_space<hbm>> -> memref<125x80xi32, #tpu.memory_space<hbm>>
      tpu.wait_dma2 semaphore(%run_scoped3A_95 : memref<!tpu.dma_semaphore, #tpu.memory_space<semaphore_mem>>) src(%dma_wait3A_111 : memref<125x80xi32, #tpu.memory_space<hbm>>) dst(%arg6 : memref<125x80xi32, #tpu.memory_space<vmem>>)
      tpu.yield
    }) : () -> ()
    %run_scoped3A_3 = arith.constant 1 : i32
    "tpu.region"() ({
      %run_scoped3A_95 = tpu.sem_alloc : memref<!tpu.dma_semaphore, #tpu.memory_space<semaphore_mem>>
      %dma_start3A_96 = arith.constant 0 : i32
      %dma_start3A_97 = arith.constant 0 : i32
      %dma_start3A_98 = tpu.memref_slice %arg3[%run_scoped3A_3, %add3A, %dma_start3A_96, %dma_start3A_97] : memref<2x32x125x80xi32, #tpu.memory_space<hbm>> -> memref<1x1x125x80xi32, #tpu.memory_space<hbm>>
      %dma_start3A_99 = tpu.memref_squeeze %dma_start3A_98 : memref<1x1x125x80xi32, #tpu.memory_space<hbm>> -> memref<125x80xi32, #tpu.memory_space<hbm>>
      %dma_start3A_100 = arith.constant 0 : i32
      %dma_start3A_101 = arith.constant 0 : i32
      %dma_start3A_102 = tpu.memref_slice %arg3[%run_scoped3A_3, %add3A, %dma_start3A_100, %dma_start3A_101] : memref<2x32x125x80xi32, #tpu.memory_space<hbm>> -> memref<1x1x125x80xi32, #tpu.memory_space<hbm>>
      %dma_start3A_103 = tpu.memref_squeeze %dma_start3A_102 : memref<1x1x125x80xi32, #tpu.memory_space<hbm>> -> memref<125x80xi32, #tpu.memory_space<hbm>>
      tpu.enqueue_dma source(%dma_start3A_103 : memref<125x80xi32, #tpu.memory_space<hbm>>) target(%arg7 : memref<125x80xi32, #tpu.memory_space<vmem>>) target_semaphore(%run_scoped3A_95 : memref<!tpu.dma_semaphore, #tpu.memory_space<semaphore_mem>>)
      %dma_wait3A_104 = arith.constant 0 : i32
      %dma_wait3A_105 = arith.constant 0 : i32
      %dma_wait3A_106 = tpu.memref_slice %arg3[%run_scoped3A_3, %add3A, %dma_wait3A_104, %dma_wait3A_105] : memref<2x32x125x80xi32, #tpu.memory_space<hbm>> -> memref<1x1x125x80xi32, #tpu.memory_space<hbm>>
      %dma_wait3A_107 = tpu.memref_squeeze %dma_wait3A_106 : memref<1x1x125x80xi32, #tpu.memory_space<hbm>> -> memref<125x80xi32, #tpu.memory_space<hbm>>
      %dma_wait3A_108 = arith.constant 0 : i32
      %dma_wait3A_109 = arith.constant 0 : i32
      %dma_wait3A_110 = tpu.memref_slice %arg3[%run_scoped3A_3, %add3A, %dma_wait3A_108, %dma_wait3A_109] : memref<2x32x125x80xi32, #tpu.memory_space<hbm>> -> memref<1x1x125x80xi32, #tpu.memory_space<hbm>>
      %dma_wait3A_111 = tpu.memref_squeeze %dma_wait3A_110 : memref<1x1x125x80xi32, #tpu.memory_space<hbm>> -> memref<125x80xi32, #tpu.memory_space<hbm>>
      tpu.wait_dma2 semaphore(%run_scoped3A_95 : memref<!tpu.dma_semaphore, #tpu.memory_space<semaphore_mem>>) src(%dma_wait3A_111 : memref<125x80xi32, #tpu.memory_space<hbm>>) dst(%arg7 : memref<125x80xi32, #tpu.memory_space<vmem>>)
      tpu.yield
    }) : () -> ()
    %barrier3A = arith.constant 0 : index
    tpu.barrier barrier_id(%barrier3A)
    %dma_start3A = arith.constant 0 : i32
    %dma_start3A_4 = arith.constant 0 : i32
    %dma_start3A_5 = tpu.memref_slice %arg6[%dma_start3A, %dma_start3A_4] : memref<125x80xi32, #tpu.memory_space<vmem>> -> memref<1x80xi32, #tpu.memory_space<vmem>>
    %dma_start3A_6 = tpu.memref_squeeze %dma_start3A_5 : memref<1x80xi32, #tpu.memory_space<vmem>> -> memref<80xi32, #tpu.memory_space<vmem>>
    %dma_start3A_7 = arith.constant 0 : i32
    %dma_start3A_8 = arith.constant 0 : i32
    %dma_start3A_9 = tpu.memref_slice %arg2[%dma_start3A_7, %dma_start3A_8] : memref<10000x64xf32, #tpu.memory_space<hbm>> -> memref<10000x64xf32, #tpu.memory_space<hbm>>
    tpu.enqueue_indirect_dma source(%dma_start3A_9 : memref<10000x64xf32, #tpu.memory_space<hbm>>) target(%arg8 : memref<80x64xf32, #tpu.memory_space<vmem>>) offsets(%dma_start3A_6 : memref<80xi32, #tpu.memory_space<vmem>>) semaphore(%arg11 : memref<!tpu.dma_semaphore, #tpu.memory_space<semaphore_mem>>)
    %dma_start3A_10 = arith.constant 1 : i32
    %dma_start3A_11 = arith.constant 0 : i32
    %dma_start3A_12 = tpu.memref_slice %arg6[%dma_start3A_10, %dma_start3A_11] : memref<125x80xi32, #tpu.memory_space<vmem>> -> memref<1x80xi32, #tpu.memory_space<vmem>>
    %dma_start3A_13 = tpu.memref_squeeze %dma_start3A_12 : memref<1x80xi32, #tpu.memory_space<vmem>> -> memref<80xi32, #tpu.memory_space<vmem>>
    %dma_start3A_14 = arith.constant 0 : i32
    %dma_start3A_15 = arith.constant 0 : i32
    %dma_start3A_16 = tpu.memref_slice %arg2[%dma_start3A_14, %dma_start3A_15] : memref<10000x64xf32, #tpu.memory_space<hbm>> -> memref<10000x64xf32, #tpu.memory_space<hbm>>
    tpu.enqueue_indirect_dma source(%dma_start3A_16 : memref<10000x64xf32, #tpu.memory_space<hbm>>) target(%arg9 : memref<80x64xf32, #tpu.memory_space<vmem>>) offsets(%dma_start3A_13 : memref<80xi32, #tpu.memory_space<vmem>>) semaphore(%arg12 : memref<!tpu.dma_semaphore, #tpu.memory_space<semaphore_mem>>)
    %scan3A = arith.constant 0 : i32
    %scan3A_17 = arith.constant 61 : i32
    %scan3A_18 = arith.addi %scan3A, %scan3A_17 : i32
    %scan3A_19 = arith.constant 1 : i32
    scf.for %scan3A_95 = %scan3A to %scan3A_18 step %scan3A_19  : i32 {
      %mul3A_96 = arith.constant 1 : i32
      %mul3A_97 = arith.muli %scan3A_95, %mul3A_96 : i32
      %add3A_98 = arith.constant 0 : i32
      %add3A_99 = arith.addi %add3A_98, %mul3A_97 : i32
      %mul3A_100 = arith.constant 2 : i32
      %mul3A_101 = arith.muli %add3A_99, %mul3A_100 : i32
      %add3A_102 = arith.constant 0 : i32
      %add3A_103 = arith.addi %mul3A_101, %add3A_102 : i32
      %dma_wait3A_104 = arith.constant 0 : i32
      %dma_wait3A_105 = arith.constant 0 : i32
      %dma_wait3A_106 = tpu.memref_slice %arg6[%dma_wait3A_104, %dma_wait3A_105] : memref<125x80xi32, #tpu.memory_space<vmem>> -> memref<1x80xi32, #tpu.memory_space<vmem>>
      %dma_wait3A_107 = tpu.memref_squeeze %dma_wait3A_106 : memref<1x80xi32, #tpu.memory_space<vmem>> -> memref<80xi32, #tpu.memory_space<vmem>>
      %dma_wait3A_108 = arith.constant 0 : i32
      %dma_wait3A_109 = arith.constant 0 : i32
      %dma_wait3A_110 = tpu.memref_slice %arg2[%dma_wait3A_108, %dma_wait3A_109] : memref<10000x64xf32, #tpu.memory_space<hbm>> -> memref<10000x64xf32, #tpu.memory_space<hbm>>
      tpu.wait_indirect_dma semaphore(%arg11 : memref<!tpu.dma_semaphore, #tpu.memory_space<semaphore_mem>>) src(%dma_wait3A_110 : memref<10000x64xf32, #tpu.memory_space<hbm>>) dst(%arg8 : memref<80x64xf32, #tpu.memory_space<vmem>>)
      %dma_start3A_111 = arith.constant 0 : i32
      %dma_start3A_112 = tpu.memref_slice %arg7[%add3A_103, %dma_start3A_111] : memref<125x80xi32, #tpu.memory_space<vmem>> -> memref<1x80xi32, #tpu.memory_space<vmem>>
      %dma_start3A_113 = tpu.memref_squeeze %dma_start3A_112 : memref<1x80xi32, #tpu.memory_space<vmem>> -> memref<80xi32, #tpu.memory_space<vmem>>
      %dma_start3A_114 = arith.constant 0 : i32
      %dma_start3A_115 = arith.constant 0 : i32
      %dma_start3A_116 = tpu.memref_slice %arg10[%dma_start3A_114, %dma_start3A_115] : memref<10000x64xf32, #tpu.memory_space<vmem_shared>> -> memref<10000x64xf32, #tpu.memory_space<vmem_shared>>
      tpu.enqueue_indirect_dma source(%arg8 : memref<80x64xf32, #tpu.memory_space<vmem>>) target(%dma_start3A_116 : memref<10000x64xf32, #tpu.memory_space<vmem_shared>>) offsets(%dma_start3A_113 : memref<80xi32, #tpu.memory_space<vmem>>) semaphore(%arg13 : memref<!tpu.dma_semaphore, #tpu.memory_space<semaphore_mem>>) {add = true}
      %dma_wait3A_117 = arith.constant 0 : i32
      %dma_wait3A_118 = arith.constant 0 : i32
      %dma_wait3A_119 = tpu.memref_slice %arg7[%dma_wait3A_117, %dma_wait3A_118] : memref<125x80xi32, #tpu.memory_space<vmem>> -> memref<1x80xi32, #tpu.memory_space<vmem>>
      %dma_wait3A_120 = tpu.memref_squeeze %dma_wait3A_119 : memref<1x80xi32, #tpu.memory_space<vmem>> -> memref<80xi32, #tpu.memory_space<vmem>>
      %dma_wait3A_121 = arith.constant 0 : i32
      %dma_wait3A_122 = arith.constant 0 : i32
      %dma_wait3A_123 = tpu.memref_slice %arg10[%dma_wait3A_121, %dma_wait3A_122] : memref<10000x64xf32, #tpu.memory_space<vmem_shared>> -> memref<10000x64xf32, #tpu.memory_space<vmem_shared>>
      tpu.wait_indirect_dma semaphore(%arg13 : memref<!tpu.dma_semaphore, #tpu.memory_space<semaphore_mem>>) src(%arg8 : memref<80x64xf32, #tpu.memory_space<vmem>>) dst(%dma_wait3A_123 : memref<10000x64xf32, #tpu.memory_space<vmem_shared>>)
      %add3A_124 = arith.constant 2 : i32
      %add3A_125 = arith.addi %add3A_103, %add3A_124 : i32
      %dma_start3A_126 = arith.constant 0 : i32
      %dma_start3A_127 = tpu.memref_slice %arg6[%add3A_125, %dma_start3A_126] : memref<125x80xi32, #tpu.memory_space<vmem>> -> memref<1x80xi32, #tpu.memory_space<vmem>>
      %dma_start3A_128 = tpu.memref_squeeze %dma_start3A_127 : memref<1x80xi32, #tpu.memory_space<vmem>> -> memref<80xi32, #tpu.memory_space<vmem>>
      %dma_start3A_129 = arith.constant 0 : i32
      %dma_start3A_130 = arith.constant 0 : i32
      %dma_start3A_131 = tpu.memref_slice %arg2[%dma_start3A_129, %dma_start3A_130] : memref<10000x64xf32, #tpu.memory_space<hbm>> -> memref<10000x64xf32, #tpu.memory_space<hbm>>
      tpu.enqueue_indirect_dma source(%dma_start3A_131 : memref<10000x64xf32, #tpu.memory_space<hbm>>) target(%arg8 : memref<80x64xf32, #tpu.memory_space<vmem>>) offsets(%dma_start3A_128 : memref<80xi32, #tpu.memory_space<vmem>>) semaphore(%arg11 : memref<!tpu.dma_semaphore, #tpu.memory_space<semaphore_mem>>)
      %add3A_132 = arith.constant 1 : i32
      %add3A_133 = arith.addi %mul3A_101, %add3A_132 : i32
      %dma_wait3A_134 = arith.constant 0 : i32
      %dma_wait3A_135 = arith.constant 0 : i32
      %dma_wait3A_136 = tpu.memref_slice %arg6[%dma_wait3A_134, %dma_wait3A_135] : memref<125x80xi32, #tpu.memory_space<vmem>> -> memref<1x80xi32, #tpu.memory_space<vmem>>
      %dma_wait3A_137 = tpu.memref_squeeze %dma_wait3A_136 : memref<1x80xi32, #tpu.memory_space<vmem>> -> memref<80xi32, #tpu.memory_space<vmem>>
      %dma_wait3A_138 = arith.constant 0 : i32
      %dma_wait3A_139 = arith.constant 0 : i32
      %dma_wait3A_140 = tpu.memref_slice %arg2[%dma_wait3A_138, %dma_wait3A_139] : memref<10000x64xf32, #tpu.memory_space<hbm>> -> memref<10000x64xf32, #tpu.memory_space<hbm>>
      tpu.wait_indirect_dma semaphore(%arg12 : memref<!tpu.dma_semaphore, #tpu.memory_space<semaphore_mem>>) src(%dma_wait3A_140 : memref<10000x64xf32, #tpu.memory_space<hbm>>) dst(%arg9 : memref<80x64xf32, #tpu.memory_space<vmem>>)
      %dma_start3A_141 = arith.constant 0 : i32
      %dma_start3A_142 = tpu.memref_slice %arg7[%add3A_133, %dma_start3A_141] : memref<125x80xi32, #tpu.memory_space<vmem>> -> memref<1x80xi32, #tpu.memory_space<vmem>>
      %dma_start3A_143 = tpu.memref_squeeze %dma_start3A_142 : memref<1x80xi32, #tpu.memory_space<vmem>> -> memref<80xi32, #tpu.memory_space<vmem>>
      %dma_start3A_144 = arith.constant 0 : i32
      %dma_start3A_145 = arith.constant 0 : i32
      %dma_start3A_146 = tpu.memref_slice %arg10[%dma_start3A_144, %dma_start3A_145] : memref<10000x64xf32, #tpu.memory_space<vmem_shared>> -> memref<10000x64xf32, #tpu.memory_space<vmem_shared>>
      tpu.enqueue_indirect_dma source(%arg9 : memref<80x64xf32, #tpu.memory_space<vmem>>) target(%dma_start3A_146 : memref<10000x64xf32, #tpu.memory_space<vmem_shared>>) offsets(%dma_start3A_143 : memref<80xi32, #tpu.memory_space<vmem>>) semaphore(%arg14 : memref<!tpu.dma_semaphore, #tpu.memory_space<semaphore_mem>>) {add = true}
      %dma_wait3A_147 = arith.constant 0 : i32
      %dma_wait3A_148 = arith.constant 0 : i32
      %dma_wait3A_149 = tpu.memref_slice %arg7[%dma_wait3A_147, %dma_wait3A_148] : memref<125x80xi32, #tpu.memory_space<vmem>> -> memref<1x80xi32, #tpu.memory_space<vmem>>
      %dma_wait3A_150 = tpu.memref_squeeze %dma_wait3A_149 : memref<1x80xi32, #tpu.memory_space<vmem>> -> memref<80xi32, #tpu.memory_space<vmem>>
      %dma_wait3A_151 = arith.constant 0 : i32
      %dma_wait3A_152 = arith.constant 0 : i32
      %dma_wait3A_153 = tpu.memref_slice %arg10[%dma_wait3A_151, %dma_wait3A_152] : memref<10000x64xf32, #tpu.memory_space<vmem_shared>> -> memref<10000x64xf32, #tpu.memory_space<vmem_shared>>
      tpu.wait_indirect_dma semaphore(%arg14 : memref<!tpu.dma_semaphore, #tpu.memory_space<semaphore_mem>>) src(%arg9 : memref<80x64xf32, #tpu.memory_space<vmem>>) dst(%dma_wait3A_153 : memref<10000x64xf32, #tpu.memory_space<vmem_shared>>)
      %add3A_154 = arith.constant 2 : i32
      %add3A_155 = arith.addi %add3A_133, %add3A_154 : i32
      %dma_start3A_156 = arith.constant 0 : i32
      %dma_start3A_157 = tpu.memref_slice %arg6[%add3A_155, %dma_start3A_156] : memref<125x80xi32, #tpu.memory_space<vmem>> -> memref<1x80xi32, #tpu.memory_space<vmem>>
      %dma_start3A_158 = tpu.memref_squeeze %dma_start3A_157 : memref<1x80xi32, #tpu.memory_space<vmem>> -> memref<80xi32, #tpu.memory_space<vmem>>
      %dma_start3A_159 = arith.constant 0 : i32
      %dma_start3A_160 = arith.constant 0 : i32
      %dma_start3A_161 = tpu.memref_slice %arg2[%dma_start3A_159, %dma_start3A_160] : memref<10000x64xf32, #tpu.memory_space<hbm>> -> memref<10000x64xf32, #tpu.memory_space<hbm>>
      tpu.enqueue_indirect_dma source(%dma_start3A_161 : memref<10000x64xf32, #tpu.memory_space<hbm>>) target(%arg9 : memref<80x64xf32, #tpu.memory_space<vmem>>) offsets(%dma_start3A_158 : memref<80xi32, #tpu.memory_space<vmem>>) semaphore(%arg12 : memref<!tpu.dma_semaphore, #tpu.memory_space<semaphore_mem>>)
    }
    %scan3A_20 = arith.constant 61 : i32
    %dma_wait3A = arith.constant 0 : i32
    %dma_wait3A_21 = arith.constant 0 : i32
    %dma_wait3A_22 = tpu.memref_slice %arg6[%dma_wait3A, %dma_wait3A_21] : memref<125x80xi32, #tpu.memory_space<vmem>> -> memref<1x80xi32, #tpu.memory_space<vmem>>
    %dma_wait3A_23 = tpu.memref_squeeze %dma_wait3A_22 : memref<1x80xi32, #tpu.memory_space<vmem>> -> memref<80xi32, #tpu.memory_space<vmem>>
    %dma_wait3A_24 = arith.constant 0 : i32
    %dma_wait3A_25 = arith.constant 0 : i32
    %dma_wait3A_26 = tpu.memref_slice %arg2[%dma_wait3A_24, %dma_wait3A_25] : memref<10000x64xf32, #tpu.memory_space<hbm>> -> memref<10000x64xf32, #tpu.memory_space<hbm>>
    tpu.wait_indirect_dma semaphore(%arg11 : memref<!tpu.dma_semaphore, #tpu.memory_space<semaphore_mem>>) src(%dma_wait3A_26 : memref<10000x64xf32, #tpu.memory_space<hbm>>) dst(%arg8 : memref<80x64xf32, #tpu.memory_space<vmem>>)
    %dma_start3A_27 = arith.constant 122 : i32
    %dma_start3A_28 = arith.constant 0 : i32
    %dma_start3A_29 = tpu.memref_slice %arg7[%dma_start3A_27, %dma_start3A_28] : memref<125x80xi32, #tpu.memory_space<vmem>> -> memref<1x80xi32, #tpu.memory_space<vmem>>
    %dma_start3A_30 = tpu.memref_squeeze %dma_start3A_29 : memref<1x80xi32, #tpu.memory_space<vmem>> -> memref<80xi32, #tpu.memory_space<vmem>>
    %dma_start3A_31 = arith.constant 0 : i32
    %dma_start3A_32 = arith.constant 0 : i32
    %dma_start3A_33 = tpu.memref_slice %arg10[%dma_start3A_31, %dma_start3A_32] : memref<10000x64xf32, #tpu.memory_space<vmem_shared>> -> memref<10000x64xf32, #tpu.memory_space<vmem_shared>>
    tpu.enqueue_indirect_dma source(%arg8 : memref<80x64xf32, #tpu.memory_space<vmem>>) target(%dma_start3A_33 : memref<10000x64xf32, #tpu.memory_space<vmem_shared>>) offsets(%dma_start3A_30 : memref<80xi32, #tpu.memory_space<vmem>>) semaphore(%arg13 : memref<!tpu.dma_semaphore, #tpu.memory_space<semaphore_mem>>) {add = true}
    %dma_wait3A_34 = arith.constant 0 : i32
    %dma_wait3A_35 = arith.constant 0 : i32
    %dma_wait3A_36 = tpu.memref_slice %arg7[%dma_wait3A_34, %dma_wait3A_35] : memref<125x80xi32, #tpu.memory_space<vmem>> -> memref<1x80xi32, #tpu.memory_space<vmem>>
    %dma_wait3A_37 = tpu.memref_squeeze %dma_wait3A_36 : memref<1x80xi32, #tpu.memory_space<vmem>> -> memref<80xi32, #tpu.memory_space<vmem>>
    %dma_wait3A_38 = arith.constant 0 : i32
    %dma_wait3A_39 = arith.constant 0 : i32
    %dma_wait3A_40 = tpu.memref_slice %arg10[%dma_wait3A_38, %dma_wait3A_39] : memref<10000x64xf32, #tpu.memory_space<vmem_shared>> -> memref<10000x64xf32, #tpu.memory_space<vmem_shared>>
    tpu.wait_indirect_dma semaphore(%arg13 : memref<!tpu.dma_semaphore, #tpu.memory_space<semaphore_mem>>) src(%arg8 : memref<80x64xf32, #tpu.memory_space<vmem>>) dst(%dma_wait3A_40 : memref<10000x64xf32, #tpu.memory_space<vmem_shared>>)
    %dma_start3A_41 = arith.constant 124 : i32
    %dma_start3A_42 = arith.constant 0 : i32
    %dma_start3A_43 = tpu.memref_slice %arg6[%dma_start3A_41, %dma_start3A_42] : memref<125x80xi32, #tpu.memory_space<vmem>> -> memref<1x80xi32, #tpu.memory_space<vmem>>
    %dma_start3A_44 = tpu.memref_squeeze %dma_start3A_43 : memref<1x80xi32, #tpu.memory_space<vmem>> -> memref<80xi32, #tpu.memory_space<vmem>>
    %dma_start3A_45 = arith.constant 0 : i32
    %dma_start3A_46 = arith.constant 0 : i32
    %dma_start3A_47 = tpu.memref_slice %arg2[%dma_start3A_45, %dma_start3A_46] : memref<10000x64xf32, #tpu.memory_space<hbm>> -> memref<10000x64xf32, #tpu.memory_space<hbm>>
    tpu.enqueue_indirect_dma source(%dma_start3A_47 : memref<10000x64xf32, #tpu.memory_space<hbm>>) target(%arg8 : memref<80x64xf32, #tpu.memory_space<vmem>>) offsets(%dma_start3A_44 : memref<80xi32, #tpu.memory_space<vmem>>) semaphore(%arg11 : memref<!tpu.dma_semaphore, #tpu.memory_space<semaphore_mem>>)
    %dma_wait3A_48 = arith.constant 0 : i32
    %dma_wait3A_49 = arith.constant 0 : i32
    %dma_wait3A_50 = tpu.memref_slice %arg6[%dma_wait3A_48, %dma_wait3A_49] : memref<125x80xi32, #tpu.memory_space<vmem>> -> memref<1x80xi32, #tpu.memory_space<vmem>>
    %dma_wait3A_51 = tpu.memref_squeeze %dma_wait3A_50 : memref<1x80xi32, #tpu.memory_space<vmem>> -> memref<80xi32, #tpu.memory_space<vmem>>
    %dma_wait3A_52 = arith.constant 0 : i32
    %dma_wait3A_53 = arith.constant 0 : i32
    %dma_wait3A_54 = tpu.memref_slice %arg2[%dma_wait3A_52, %dma_wait3A_53] : memref<10000x64xf32, #tpu.memory_space<hbm>> -> memref<10000x64xf32, #tpu.memory_space<hbm>>
    tpu.wait_indirect_dma semaphore(%arg12 : memref<!tpu.dma_semaphore, #tpu.memory_space<semaphore_mem>>) src(%dma_wait3A_54 : memref<10000x64xf32, #tpu.memory_space<hbm>>) dst(%arg9 : memref<80x64xf32, #tpu.memory_space<vmem>>)
    %dma_start3A_55 = arith.constant 123 : i32
    %dma_start3A_56 = arith.constant 0 : i32
    %dma_start3A_57 = tpu.memref_slice %arg7[%dma_start3A_55, %dma_start3A_56] : memref<125x80xi32, #tpu.memory_space<vmem>> -> memref<1x80xi32, #tpu.memory_space<vmem>>
    %dma_start3A_58 = tpu.memref_squeeze %dma_start3A_57 : memref<1x80xi32, #tpu.memory_space<vmem>> -> memref<80xi32, #tpu.memory_space<vmem>>
    %dma_start3A_59 = arith.constant 0 : i32
    %dma_start3A_60 = arith.constant 0 : i32
    %dma_start3A_61 = tpu.memref_slice %arg10[%dma_start3A_59, %dma_start3A_60] : memref<10000x64xf32, #tpu.memory_space<vmem_shared>> -> memref<10000x64xf32, #tpu.memory_space<vmem_shared>>
    tpu.enqueue_indirect_dma source(%arg9 : memref<80x64xf32, #tpu.memory_space<vmem>>) target(%dma_start3A_61 : memref<10000x64xf32, #tpu.memory_space<vmem_shared>>) offsets(%dma_start3A_58 : memref<80xi32, #tpu.memory_space<vmem>>) semaphore(%arg14 : memref<!tpu.dma_semaphore, #tpu.memory_space<semaphore_mem>>) {add = true}
    %dma_wait3A_62 = arith.constant 0 : i32
    %dma_wait3A_63 = arith.constant 0 : i32
    %dma_wait3A_64 = tpu.memref_slice %arg7[%dma_wait3A_62, %dma_wait3A_63] : memref<125x80xi32, #tpu.memory_space<vmem>> -> memref<1x80xi32, #tpu.memory_space<vmem>>
    %dma_wait3A_65 = tpu.memref_squeeze %dma_wait3A_64 : memref<1x80xi32, #tpu.memory_space<vmem>> -> memref<80xi32, #tpu.memory_space<vmem>>
    %dma_wait3A_66 = arith.constant 0 : i32
    %dma_wait3A_67 = arith.constant 0 : i32
    %dma_wait3A_68 = tpu.memref_slice %arg10[%dma_wait3A_66, %dma_wait3A_67] : memref<10000x64xf32, #tpu.memory_space<vmem_shared>> -> memref<10000x64xf32, #tpu.memory_space<vmem_shared>>
    tpu.wait_indirect_dma semaphore(%arg14 : memref<!tpu.dma_semaphore, #tpu.memory_space<semaphore_mem>>) src(%arg9 : memref<80x64xf32, #tpu.memory_space<vmem>>) dst(%dma_wait3A_68 : memref<10000x64xf32, #tpu.memory_space<vmem_shared>>)
    %dma_wait3A_69 = arith.constant 0 : i32
    %dma_wait3A_70 = arith.constant 0 : i32
    %dma_wait3A_71 = tpu.memref_slice %arg6[%dma_wait3A_69, %dma_wait3A_70] : memref<125x80xi32, #tpu.memory_space<vmem>> -> memref<1x80xi32, #tpu.memory_space<vmem>>
    %dma_wait3A_72 = tpu.memref_squeeze %dma_wait3A_71 : memref<1x80xi32, #tpu.memory_space<vmem>> -> memref<80xi32, #tpu.memory_space<vmem>>
    %dma_wait3A_73 = arith.constant 0 : i32
    %dma_wait3A_74 = arith.constant 0 : i32
    %dma_wait3A_75 = tpu.memref_slice %arg2[%dma_wait3A_73, %dma_wait3A_74] : memref<10000x64xf32, #tpu.memory_space<hbm>> -> memref<10000x64xf32, #tpu.memory_space<hbm>>
    tpu.wait_indirect_dma semaphore(%arg11 : memref<!tpu.dma_semaphore, #tpu.memory_space<semaphore_mem>>) src(%dma_wait3A_75 : memref<10000x64xf32, #tpu.memory_space<hbm>>) dst(%arg8 : memref<80x64xf32, #tpu.memory_space<vmem>>)
    %dma_start3A_76 = arith.constant 124 : i32
    %dma_start3A_77 = arith.constant 0 : i32
    %dma_start3A_78 = tpu.memref_slice %arg7[%dma_start3A_76, %dma_start3A_77] : memref<125x80xi32, #tpu.memory_space<vmem>> -> memref<1x80xi32, #tpu.memory_space<vmem>>
    %dma_start3A_79 = tpu.memref_squeeze %dma_start3A_78 : memref<1x80xi32, #tpu.memory_space<vmem>> -> memref<80xi32, #tpu.memory_space<vmem>>
    %dma_start3A_80 = arith.constant 0 : i32
    %dma_start3A_81 = arith.constant 0 : i32
    %dma_start3A_82 = tpu.memref_slice %arg10[%dma_start3A_80, %dma_start3A_81] : memref<10000x64xf32, #tpu.memory_space<vmem_shared>> -> memref<10000x64xf32, #tpu.memory_space<vmem_shared>>
    tpu.enqueue_indirect_dma source(%arg8 : memref<80x64xf32, #tpu.memory_space<vmem>>) target(%dma_start3A_82 : memref<10000x64xf32, #tpu.memory_space<vmem_shared>>) offsets(%dma_start3A_79 : memref<80xi32, #tpu.memory_space<vmem>>) semaphore(%arg13 : memref<!tpu.dma_semaphore, #tpu.memory_space<semaphore_mem>>) {add = true}
    %dma_wait3A_83 = arith.constant 0 : i32
    %dma_wait3A_84 = arith.constant 0 : i32
    %dma_wait3A_85 = tpu.memref_slice %arg7[%dma_wait3A_83, %dma_wait3A_84] : memref<125x80xi32, #tpu.memory_space<vmem>> -> memref<1x80xi32, #tpu.memory_space<vmem>>
    %dma_wait3A_86 = tpu.memref_squeeze %dma_wait3A_85 : memref<1x80xi32, #tpu.memory_space<vmem>> -> memref<80xi32, #tpu.memory_space<vmem>>
    %dma_wait3A_87 = arith.constant 0 : i32
    %dma_wait3A_88 = arith.constant 0 : i32
    %dma_wait3A_89 = tpu.memref_slice %arg10[%dma_wait3A_87, %dma_wait3A_88] : memref<10000x64xf32, #tpu.memory_space<vmem_shared>> -> memref<10000x64xf32, #tpu.memory_space<vmem_shared>>
    tpu.wait_indirect_dma semaphore(%arg13 : memref<!tpu.dma_semaphore, #tpu.memory_space<semaphore_mem>>) src(%arg8 : memref<80x64xf32, #tpu.memory_space<vmem>>) dst(%dma_wait3A_89 : memref<10000x64xf32, #tpu.memory_space<vmem_shared>>)
    %barrier3A_90 = arith.constant 0 : index
    tpu.barrier barrier_id(%barrier3A_90)
    %mul3A_91 = arith.constant 625 : i32
    %mul3A_92 = arith.muli %arg1, %mul3A_91 : i32
    %mul3A_93 = arith.constant 625 : i32
    %mul3A_94 = arith.muli %arg1, %mul3A_93 : i32
    "tpu.region"() ({
      %run_scoped3A_95 = tpu.sem_alloc : memref<!tpu.dma_semaphore, #tpu.memory_space<semaphore_mem>>
      %dma_start3A_96 = arith.constant 0 : i32
      %dma_start3A_97 = tpu.memref_slice %arg5[%arg0, %mul3A_94, %dma_start3A_96] : memref<2x10000x64xf32, #tpu.memory_space<hbm>> -> memref<1x625x64xf32, #tpu.memory_space<hbm>>
      %dma_start3A_98 = tpu.memref_squeeze %dma_start3A_97 : memref<1x625x64xf32, #tpu.memory_space<hbm>> -> memref<625x64xf32, #tpu.memory_space<hbm>>
      %dma_start3A_99 = arith.constant 0 : i32
      %dma_start3A_100 = tpu.memref_slice %arg10[%mul3A_92, %dma_start3A_99] : memref<10000x64xf32, #tpu.memory_space<vmem_shared>> -> memref<625x64xf32, #tpu.memory_space<vmem_shared>>
      tpu.enqueue_dma source(%dma_start3A_100 : memref<625x64xf32, #tpu.memory_space<vmem_shared>>) target(%dma_start3A_98 : memref<625x64xf32, #tpu.memory_space<hbm>>) target_semaphore(%run_scoped3A_95 : memref<!tpu.dma_semaphore, #tpu.memory_space<semaphore_mem>>)
      %dma_wait3A_101 = arith.constant 0 : i32
      %dma_wait3A_102 = tpu.memref_slice %arg5[%arg0, %mul3A_94, %dma_wait3A_101] : memref<2x10000x64xf32, #tpu.memory_space<hbm>> -> memref<1x625x64xf32, #tpu.memory_space<hbm>>
      %dma_wait3A_103 = tpu.memref_squeeze %dma_wait3A_102 : memref<1x625x64xf32, #tpu.memory_space<hbm>> -> memref<625x64xf32, #tpu.memory_space<hbm>>
      %dma_wait3A_104 = arith.constant 0 : i32
      %dma_wait3A_105 = tpu.memref_slice %arg10[%mul3A_92, %dma_wait3A_104] : memref<10000x64xf32, #tpu.memory_space<vmem_shared>> -> memref<625x64xf32, #tpu.memory_space<vmem_shared>>
      tpu.wait_dma2 semaphore(%run_scoped3A_95 : memref<!tpu.dma_semaphore, #tpu.memory_space<semaphore_mem>>) src(%dma_wait3A_105 : memref<625x64xf32, #tpu.memory_space<vmem_shared>>) dst(%dma_wait3A_103 : memref<625x64xf32, #tpu.memory_space<hbm>>)
      tpu.yield
    }) : () -> ()
    return
  }
}

module attributes {stable_mosaic.version = 14 : i64} {
  func.func @_tc_mid_body(%arg0: i32, %arg1: memref<2048x128xf32, #tpu.memory_space<vmem>>, %arg2: memref<1x2048x128xf32, #tpu.memory_space<vmem>>, %arg3: memref<1x2048x128xf32, #tpu.memory_space<vmem>>, %arg4: memref<1x2048x8xf32, #tpu.memory_space<vmem>>, %arg5: memref<1x2048x8xf32, #tpu.memory_space<vmem>>, %arg6: memref<128x128xf32, #tpu.memory_space<vmem>>, %arg7: memref<128x128xf32, #tpu.memory_space<vmem>>, %arg8: memref<1x128xf32, #tpu.memory_space<vmem>>, %arg9: memref<128x64xf32, #tpu.memory_space<vmem>>, %arg10: memref<128x64xf32, #tpu.memory_space<vmem>>, %arg11: memref<1x64xf32, #tpu.memory_space<vmem>>, %arg12: memref<2048x64xf32, #tpu.memory_space<vmem>>, %arg13: memref<2048x64xf32, #tpu.memory_space<vmem>>, %arg14: memref<2048x1xf32, #tpu.memory_space<vmem>>) attributes {dimension_semantics = [#tpu.dimension_semantics<arbitrary>], iteration_bounds = array<i64: 5>, scalar_prefetch = 0 : i64, scratch_operands = 0 : i64, tpu.core_type = #tpu.core_type<tc>, window_params = [{transform_indices = @transform_0, window_bounds = array<i64: 2048, 128>}, {transform_indices = @transform_1, window_bounds = array<i64: 1, 2048, 128>}, {transform_indices = @transform_2, window_bounds = array<i64: 1, 2048, 128>}, {transform_indices = @transform_3, window_bounds = array<i64: 1, 2048, 8>}, {transform_indices = @transform_4, window_bounds = array<i64: 1, 2048, 8>}, {pipeline_mode = #tpu.pipeline_mode<synchronous>, transform_indices = @transform_5, window_bounds = array<i64: 128, 128>}, {pipeline_mode = #tpu.pipeline_mode<synchronous>, transform_indices = @transform_6, window_bounds = array<i64: 128, 128>}, {pipeline_mode = #tpu.pipeline_mode<synchronous>, transform_indices = @transform_7, window_bounds = array<i64: 1, 128>}, {pipeline_mode = #tpu.pipeline_mode<synchronous>, transform_indices = @transform_8, window_bounds = array<i64: 128, 64>}, {pipeline_mode = #tpu.pipeline_mode<synchronous>, transform_indices = @transform_9, window_bounds = array<i64: 128, 64>}, {pipeline_mode = #tpu.pipeline_mode<synchronous>, transform_indices = @transform_10, window_bounds = array<i64: 1, 64>}, {transform_indices = @transform_11, window_bounds = array<i64: 2048, 64>}, {transform_indices = @transform_12, window_bounds = array<i64: 2048, 64>}, {transform_indices = @transform_13, window_bounds = array<i64: 2048, 1>}]} {
    %get3A = arith.constant 0 : index
    %get3A_0 = arith.constant 0 : index
    %get3A_1 = arith.constant 0 : index
    %get3A_2 = vector.load %arg2[%get3A, %get3A_0, %get3A_1] : memref<1x2048x128xf32, #tpu.memory_space<vmem>>, vector<1x2048x128xf32>
    %get3A_3 = vector.shape_cast %get3A_2 : vector<1x2048x128xf32> to vector<2048x128xf32>
    %get3A_4 = arith.constant 0 : index
    %get3A_5 = arith.constant 0 : index
    %get3A_6 = arith.constant 0 : index
    %get3A_7 = vector.load %arg3[%get3A_4, %get3A_5, %get3A_6] : memref<1x2048x128xf32, #tpu.memory_space<vmem>>, vector<1x2048x128xf32>
    %get3A_8 = vector.shape_cast %get3A_7 : vector<1x2048x128xf32> to vector<2048x128xf32>
    %add3A = arith.addf %get3A_3, %get3A_8 : vector<2048x128xf32>
    %get3A_9 = arith.constant 0 : index
    %get3A_10 = arith.constant 0 : index
    %get3A_11 = arith.constant 0 : index
    %get3A_12 = vector.load %arg4[%get3A_9, %get3A_10, %get3A_11] : memref<1x2048x8xf32, #tpu.memory_space<vmem>>, vector<1x2048x1xf32>
    %get3A_13 = vector.shape_cast %get3A_12 : vector<1x2048x1xf32> to vector<2048x1xf32>
    %get3A_14 = arith.constant 0 : index
    %get3A_15 = arith.constant 0 : index
    %get3A_16 = arith.constant 0 : index
    %get3A_17 = vector.load %arg5[%get3A_14, %get3A_15, %get3A_16] : memref<1x2048x8xf32, #tpu.memory_space<vmem>>, vector<1x2048x1xf32>
    %get3A_18 = vector.shape_cast %get3A_17 : vector<1x2048x1xf32> to vector<2048x1xf32>
    %add3A_19 = arith.addf %get3A_13, %get3A_18 : vector<2048x1xf32>
    %max3A = arith.constant 1.000000e+00 : f32
    %max3A_20 = vector.broadcast %max3A : f32 to vector<2048x1xf32>
    %max3A_21 = arith.maximumf %add3A_19, %max3A_20 : vector<2048x1xf32>
    %div3A = arith.constant 1.000000e+00 : f32
    %div3A_22 = vector.broadcast %div3A : f32 to vector<2048x1xf32>
    %div3A_23 = arith.divf %div3A_22, %max3A_21 : vector<2048x1xf32>
    %mul3A = vector.broadcast %div3A_23 : vector<2048x1xf32> to vector<2048x128xf32>
    %mul3A_24 = arith.mulf %add3A, %mul3A : vector<2048x128xf32>
    %get3A_25 = arith.constant 0 : index
    %get3A_26 = arith.constant 0 : index
    %get3A_27 = vector.load %arg1[%get3A_25, %get3A_26] : memref<2048x128xf32, #tpu.memory_space<vmem>>, vector<2048x128xf32>
    %get3A_28 = arith.constant 0 : index
    %get3A_29 = arith.constant 0 : index
    %get3A_30 = vector.load %arg6[%get3A_28, %get3A_29] : memref<128x128xf32, #tpu.memory_space<vmem>>, vector<128x128xf32>
    %dot_general3A = arith.constant dense<0.000000e+00> : vector<2048x128xf32>
    %dot_general3A_31 = tpu.matmul %get3A_27, %get3A_30, %dot_general3A {dimension_numbers = #tpu.dot_dimension_numbers<[1], [0], [0], [1], [0, 0, 1, 1], [], []>, transpose_lhs_hint = false} : vector<2048x128xf32>, vector<128x128xf32>, vector<2048x128xf32> -> vector<2048x128xf32>
    %get3A_32 = arith.constant 0 : index
    %get3A_33 = arith.constant 0 : index
    %get3A_34 = vector.load %arg7[%get3A_32, %get3A_33] : memref<128x128xf32, #tpu.memory_space<vmem>>, vector<128x128xf32>
    %dot_general3A_35 = arith.constant dense<0.000000e+00> : vector<2048x128xf32>
    %dot_general3A_36 = tpu.matmul %mul3A_24, %get3A_34, %dot_general3A_35 {dimension_numbers = #tpu.dot_dimension_numbers<[1], [0], [0], [1], [0, 0, 1, 1], [], []>, transpose_lhs_hint = false} : vector<2048x128xf32>, vector<128x128xf32>, vector<2048x128xf32> -> vector<2048x128xf32>
    %add3A_37 = arith.addf %dot_general3A_31, %dot_general3A_36 : vector<2048x128xf32>
    %get3A_38 = arith.constant 0 : index
    %get3A_39 = arith.constant 0 : index
    %get3A_40 = vector.load %arg8[%get3A_38, %get3A_39] : memref<1x128xf32, #tpu.memory_space<vmem>>, vector<1x128xf32>
    %add3A_41 = vector.broadcast %get3A_40 : vector<1x128xf32> to vector<2048x128xf32>
    %add3A_42 = arith.addf %add3A_37, %add3A_41 : vector<2048x128xf32>
    %max3A_43 = arith.constant 0.000000e+00 : f32
    %max3A_44 = vector.broadcast %max3A_43 : f32 to vector<2048x128xf32>
    %max3A_45 = arith.maximumf %add3A_42, %max3A_44 : vector<2048x128xf32>
    %get3A_46 = arith.constant 0 : index
    %get3A_47 = arith.constant 0 : index
    %get3A_48 = vector.load %arg9[%get3A_46, %get3A_47] : memref<128x64xf32, #tpu.memory_space<vmem>>, vector<128x64xf32>
    %dot_general3A_49 = arith.constant dense<0.000000e+00> : vector<2048x64xf32>
    %dot_general3A_50 = tpu.matmul %max3A_45, %get3A_48, %dot_general3A_49 {dimension_numbers = #tpu.dot_dimension_numbers<[1], [0], [0], [1], [0, 0, 1, 1], [], []>, transpose_lhs_hint = false} : vector<2048x128xf32>, vector<128x64xf32>, vector<2048x64xf32> -> vector<2048x64xf32>
    %swap3A = arith.constant 0 : index
    %swap3A_51 = arith.constant 0 : index
    %swap3A_52 = vector.load %arg12[%swap3A, %swap3A_51] : memref<2048x64xf32, #tpu.memory_space<vmem>>, vector<2048x64xf32>
    tpu.vector_store %arg12[%swap3A, %swap3A_51], %dot_general3A_50 {strides = array<i32>} : memref<2048x64xf32, #tpu.memory_space<vmem>>, vector<2048x64xf32>,
    %get3A_53 = arith.constant 0 : index
    %get3A_54 = arith.constant 0 : index
    %get3A_55 = vector.load %arg10[%get3A_53, %get3A_54] : memref<128x64xf32, #tpu.memory_space<vmem>>, vector<128x64xf32>
    %dot_general3A_56 = arith.constant dense<0.000000e+00> : vector<2048x64xf32>
    %dot_general3A_57 = tpu.matmul %max3A_45, %get3A_55, %dot_general3A_56 {dimension_numbers = #tpu.dot_dimension_numbers<[1], [0], [0], [1], [0, 0, 1, 1], [], []>, transpose_lhs_hint = false} : vector<2048x128xf32>, vector<128x64xf32>, vector<2048x64xf32> -> vector<2048x64xf32>
    %get3A_58 = arith.constant 0 : index
    %get3A_59 = arith.constant 0 : index
    %get3A_60 = vector.load %arg11[%get3A_58, %get3A_59] : memref<1x64xf32, #tpu.memory_space<vmem>>, vector<1x64xf32>
    %add3A_61 = vector.broadcast %get3A_60 : vector<1x64xf32> to vector<2048x64xf32>
    %add3A_62 = arith.addf %dot_general3A_57, %add3A_61 : vector<2048x64xf32>
    %swap3A_63 = arith.constant 0 : index
    %swap3A_64 = arith.constant 0 : index
    %swap3A_65 = vector.load %arg13[%swap3A_63, %swap3A_64] : memref<2048x64xf32, #tpu.memory_space<vmem>>, vector<2048x64xf32>
    tpu.vector_store %arg13[%swap3A_63, %swap3A_64], %add3A_62 {strides = array<i32>} : memref<2048x64xf32, #tpu.memory_space<vmem>>, vector<2048x64xf32>,
    %swap3A_66 = arith.constant 0 : index
    %swap3A_67 = arith.constant 0 : index
    %swap3A_68 = vector.load %arg14[%swap3A_66, %swap3A_67] : memref<2048x1xf32, #tpu.memory_space<vmem>>, vector<2048x1xf32>
    tpu.vector_store %arg14[%swap3A_66, %swap3A_67], %div3A_23 {strides = array<i32>} : memref<2048x1xf32, #tpu.memory_space<vmem>>, vector<2048x1xf32>,
    return
  }
  func.func @transform_0(%arg0: i32) -> (i32, i32) {
    %c0_i32 = arith.constant 0 : i32
    %c0_i32_0 = arith.constant 0 : i32
    return %arg0, %c0_i32 : i32, i32
  }
  func.func @transform_1(%arg0: i32) -> (i32, i32, i32) {
    %c0_i32 = arith.constant 0 : i32
    %c0_i32_0 = arith.constant 0 : i32
    %c0_i32_1 = arith.constant 0 : i32
    return %c0_i32, %arg0, %c0_i32_0 : i32, i32, i32
  }
  func.func @transform_2(%arg0: i32) -> (i32, i32, i32) {
    %c1_i32 = arith.constant 1 : i32
    %c0_i32 = arith.constant 0 : i32
    %c0_i32_0 = arith.constant 0 : i32
    return %c1_i32, %arg0, %c0_i32 : i32, i32, i32
  }
  func.func @transform_3(%arg0: i32) -> (i32, i32, i32) {
    %c0_i32 = arith.constant 0 : i32
    %c0_i32_0 = arith.constant 0 : i32
    %c0_i32_1 = arith.constant 0 : i32
    return %c0_i32, %arg0, %c0_i32_0 : i32, i32, i32
  }
  func.func @transform_4(%arg0: i32) -> (i32, i32, i32) {
    %c1_i32 = arith.constant 1 : i32
    %c0_i32 = arith.constant 0 : i32
    %c0_i32_0 = arith.constant 0 : i32
    return %c1_i32, %arg0, %c0_i32 : i32, i32, i32
  }
  func.func @transform_5(%arg0: i32) -> (i32, i32) {
    %c0_i32 = arith.constant 0 : i32
    %c0_i32_0 = arith.constant 0 : i32
    %c0_i32_1 = arith.constant 0 : i32
    return %c0_i32, %c0_i32_0 : i32, i32
  }
  func.func @transform_6(%arg0: i32) -> (i32, i32) {
    %c0_i32 = arith.constant 0 : i32
    %c0_i32_0 = arith.constant 0 : i32
    %c0_i32_1 = arith.constant 0 : i32
    return %c0_i32, %c0_i32_0 : i32, i32
  }
  func.func @transform_7(%arg0: i32) -> (i32, i32) {
    %c0_i32 = arith.constant 0 : i32
    %c0_i32_0 = arith.constant 0 : i32
    %c0_i32_1 = arith.constant 0 : i32
    return %c0_i32, %c0_i32_0 : i32, i32
  }
  func.func @transform_8(%arg0: i32) -> (i32, i32) {
    %c0_i32 = arith.constant 0 : i32
    %c0_i32_0 = arith.constant 0 : i32
    %c0_i32_1 = arith.constant 0 : i32
    return %c0_i32, %c0_i32_0 : i32, i32
  }
  func.func @transform_9(%arg0: i32) -> (i32, i32) {
    %c0_i32 = arith.constant 0 : i32
    %c0_i32_0 = arith.constant 0 : i32
    %c0_i32_1 = arith.constant 0 : i32
    return %c0_i32, %c0_i32_0 : i32, i32
  }
  func.func @transform_10(%arg0: i32) -> (i32, i32) {
    %c0_i32 = arith.constant 0 : i32
    %c0_i32_0 = arith.constant 0 : i32
    %c0_i32_1 = arith.constant 0 : i32
    return %c0_i32, %c0_i32_0 : i32, i32
  }
  func.func @transform_11(%arg0: i32) -> (i32, i32) {
    %c0_i32 = arith.constant 0 : i32
    %c0_i32_0 = arith.constant 0 : i32
    return %arg0, %c0_i32 : i32, i32
  }
  func.func @transform_12(%arg0: i32) -> (i32, i32) {
    %c0_i32 = arith.constant 0 : i32
    %c0_i32_0 = arith.constant 0 : i32
    return %arg0, %c0_i32 : i32, i32
  }
  func.func @transform_13(%arg0: i32) -> (i32, i32) {
    %c0_i32 = arith.constant 0 : i32
    %c0_i32_0 = arith.constant 0 : i32
    return %arg0, %c0_i32 : i32, i32
  }
}

module attributes {stable_mosaic.version = 14 : i64} {
  func.func @_tc_fin_body(%arg0: i32, %arg1: memref<2048x64xf32, #tpu.memory_space<vmem>>, %arg2: memref<1x2048x64xf32, #tpu.memory_space<vmem>>, %arg3: memref<1x2048x64xf32, #tpu.memory_space<vmem>>, %arg4: memref<2048x1xf32, #tpu.memory_space<vmem>>, %arg5: memref<2048x64xf32, #tpu.memory_space<vmem>>) attributes {dimension_semantics = [#tpu.dimension_semantics<arbitrary>], iteration_bounds = array<i64: 5>, scalar_prefetch = 0 : i64, scratch_operands = 0 : i64, tpu.core_type = #tpu.core_type<tc>, window_params = [{transform_indices = @transform_0, window_bounds = array<i64: 2048, 64>}, {transform_indices = @transform_1, window_bounds = array<i64: 1, 2048, 64>}, {transform_indices = @transform_2, window_bounds = array<i64: 1, 2048, 64>}, {transform_indices = @transform_3, window_bounds = array<i64: 2048, 1>}, {transform_indices = @transform_4, window_bounds = array<i64: 2048, 64>}]} {
    %get3A = arith.constant 0 : index
    %get3A_0 = arith.constant 0 : index
    %get3A_1 = arith.constant 0 : index
    %get3A_2 = vector.load %arg2[%get3A, %get3A_0, %get3A_1] : memref<1x2048x64xf32, #tpu.memory_space<vmem>>, vector<1x2048x64xf32>
    %get3A_3 = vector.shape_cast %get3A_2 : vector<1x2048x64xf32> to vector<2048x64xf32>
    %get3A_4 = arith.constant 0 : index
    %get3A_5 = arith.constant 0 : index
    %get3A_6 = arith.constant 0 : index
    %get3A_7 = vector.load %arg3[%get3A_4, %get3A_5, %get3A_6] : memref<1x2048x64xf32, #tpu.memory_space<vmem>>, vector<1x2048x64xf32>
    %get3A_8 = vector.shape_cast %get3A_7 : vector<1x2048x64xf32> to vector<2048x64xf32>
    %add3A = arith.addf %get3A_3, %get3A_8 : vector<2048x64xf32>
    %get3A_9 = arith.constant 0 : index
    %get3A_10 = arith.constant 0 : index
    %get3A_11 = vector.load %arg1[%get3A_9, %get3A_10] : memref<2048x64xf32, #tpu.memory_space<vmem>>, vector<2048x64xf32>
    %get3A_12 = arith.constant 0 : index
    %get3A_13 = arith.constant 0 : index
    %get3A_14 = vector.load %arg4[%get3A_12, %get3A_13] : memref<2048x1xf32, #tpu.memory_space<vmem>>, vector<2048x1xf32>
    %mul3A = vector.broadcast %get3A_14 : vector<2048x1xf32> to vector<2048x64xf32>
    %mul3A_15 = arith.mulf %add3A, %mul3A : vector<2048x64xf32>
    %add3A_16 = arith.addf %get3A_11, %mul3A_15 : vector<2048x64xf32>
    %swap3A = arith.constant 0 : index
    %swap3A_17 = arith.constant 0 : index
    %swap3A_18 = vector.load %arg5[%swap3A, %swap3A_17] : memref<2048x64xf32, #tpu.memory_space<vmem>>, vector<2048x64xf32>
    tpu.vector_store %arg5[%swap3A, %swap3A_17], %add3A_16 {strides = array<i32>} : memref<2048x64xf32, #tpu.memory_space<vmem>>, vector<2048x64xf32>,
    return
  }
  func.func @transform_0(%arg0: i32) -> (i32, i32) {
    %c0_i32 = arith.constant 0 : i32
    %c0_i32_0 = arith.constant 0 : i32
    return %arg0, %c0_i32 : i32, i32
  }
  func.func @transform_1(%arg0: i32) -> (i32, i32, i32) {
    %c0_i32 = arith.constant 0 : i32
    %c0_i32_0 = arith.constant 0 : i32
    %c0_i32_1 = arith.constant 0 : i32
    return %c0_i32, %arg0, %c0_i32_0 : i32, i32, i32
  }
  func.func @transform_2(%arg0: i32) -> (i32, i32, i32) {
    %c1_i32 = arith.constant 1 : i32
    %c0_i32 = arith.constant 0 : i32
    %c0_i32_0 = arith.constant 0 : i32
    return %c1_i32, %arg0, %c0_i32 : i32, i32, i32
  }
  func.func @transform_3(%arg0: i32) -> (i32, i32) {
    %c0_i32 = arith.constant 0 : i32
    %c0_i32_0 = arith.constant 0 : i32
    return %arg0, %c0_i32 : i32, i32
  }
  func.func @transform_4(%arg0: i32) -> (i32, i32) {
    %c0_i32 = arith.constant 0 : i32
    %c0_i32_0 = arith.constant 0 : i32
    return %arg0, %c0_i32 : i32, i32
  }
}

</mosaic_0001>

<sc_bundles>
// kernel: kernel.6.cloned.1.call-start
scs
__scs_entry_jumppad:
0x0: {  	(pc) =	sbr.rel $0x88, $3  }
0x1: {  	(tag) =	ssettag $0x0;
	lr =	simm.s32 $0x1  }
0x2: {  	[smem:$0x3F99] =	sst lr;
	_ =	strace $0xD0000000  }
0x3: {  	_ = 	snop  }
0x4: {  	_ = 	snop  }
0x5: {  	_ = 	snop  }
0x6: {  	_ = 	snop  }
0x7: {  	_ = 	snop  }
__scs_overlays_trampoline_lowered:
0x8: {  	[smem:$0x3FA8] =	sst s0  }
0x9: {  	[smem:$0x3FA9] =	sst s1  }
0xa: {  	[smem:$0x3FAA] =	sst s2  }
0xb: {  	[smem:$0x3FAB] =	sst s3  }
0xc: {  	[smem:$0x3FAC] =	sst s4  }
0xd: {  	[smem:$0x3FAD] =	sst s5  }
0xe: {  	[smem:$0x3FAE] =	sst s6  }
0xf: {  	[smem:$0x3FAF] =	sst s7  }
0x10: {  	[smem:$0x3FB0] =	sst s8  }
0x11: {  	[smem:$0x3FB1] =	sst s9;
	s0 =	simm.s32 @!p0 $0x0  }
0x12: {  	s1 =	sld [smem:$0x3F97];
	s0 =	simm.s32 @p0 $0x1  }
0x13: {  	[smem:$0x3FB2] =	sst s0;
	s0 =	simm.s32 @!p1 $0x0  }
0x14: {  	s2 =	sld [smem:$0x3F96];
	s0 =	simm.s32 @p1 $0x1  }
0x15: {  	[smem:$0x3FB3] =	sst s0;
	s0 =	simm.s32 @!p2 $0x0  }
0x16: {  	s3 =	sld [smem:$0x3FDB];
	s0 =	simm.s32 @p2 $0x1  }
0x17: {  	s4 =	simm.s32 $0x1BF5;
	[smem:$0x3FB5] =	sst s0  }
0x18: {  	s0 =	sld [smem:$0x3F98];
	_ =	swait.ge [sflag:s4], $0x0  }
0x19: {  	s7 =	sld [smem:$0x3F99]  }
0x1a: {  	s8 =	sadd.s32 $0xFFFFE003, lr  }
0x1b: {  	s9 =	sadd.s32 $0xFFFFFEF7, lr;
	s5 =	simm.s32 $0xFFFFFFFF;
	p2 =	slt.u32 s8, $0xFFFFF086  }
0x1c: {  	p1 =	slt.u32 s9, $0xF7A;
	s5 =	simm.s32 @!p2 $0x0  }
0x1d: {  	s5 =	simm.s32 @p1 $0x1;
	p0 =	seq.s32 s7, s2  }
0x1e: {  	s7 =	smul.u32 @!p0 $0xF7A, s2;
	p2 =	seq.s32 @!p0 s5, $0x0  }
0x1f: {  	s9 =	smul.u32 $0xF7A, s1;
	s8 =	simm.s32 @!p0 $0x1BF5;
	p2 =	por !p2, p0  }
0x20: {  	[sflag:s8] =	ssyncset.s32 @!p0 $0xFFFFF086;
	s6 =	sadd.s32 @!p0 s3, s7;
	s7 =	simm.s32 @!p0 $0x108  }
0x21: {  	s3 =	sadd.s32 s3, s9;
	s6 =	sadd.s32 @!p0 $0x88, s6;
	s7 =	simm.s32 @p2 $0x1082  }
0x22: {  	[simem:s7], [sflag:s8] =	dma.local @!p0 [hbm:s6], $0xF7A  }
0x23: {  	s9 =	sor.u32 $0xD0000000, s2;
	s6 =	simm.s32 $0x108;
	_ =	swait.ge @!p0 [sflag:s8], $0x0  }
0x24: {  	s3 =	sadd.s32 $0x88, s3;
	s6 =	simm.s32 @!p1 $0x1082;
	[sflag:s4] =	ssyncset.s32 $0xFFFFF086  }
0x25: {  	[simem:s6], [sflag:s4] =	dma.local [hbm:s3], $0xF7A  }
0x26: {  	[smem:$0x3F99] =	sst s1;
	(tag) =	ssettag s2;
	_ =	strace s9  }
0x27: {  	s1 =	sld [smem:$0x3FA9]  }
0x28: {  	s2 =	sld [smem:$0x3FAA]  }
0x29: {  	s4 =	sld [smem:$0x3FAC]  }
0x2a: {  	p0 =	seq.s32 s5, $0x0;
	s5 =	sld [smem:$0x3FAD]  }
0x2b: {  	s6 =	sld [smem:$0x3FAE]  }
0x2c: {  	s7 =	sld [smem:$0x3FAF]  }
0x2d: {  	s3 =	simm.s32 $0x108;
	s8 =	sld [smem:$0x3FB0]  }
0x2e: {  	s3 =	simm.s32 @!p0 $0x1082;
	s9 =	sld [smem:$0x3FB1]  }
0x2f: {  	lr =	sadd.s32 s0, s3;
	s0 =	sld [smem:$0x3FA8]  }
0x30: {  	s3 =	sld [smem:$0x3FAB]  }
0x31: {  	[smem:$0x3FB4] =	sst s10  }
0x32: {  	s10 =	sld [smem:$0x3FB2];
	_ =	sdelay $0x3  }
0x33: {  	p0 =	seq.s32 s10, $0x1;
	s10 =	sld [smem:$0x3FB4];
	_ =	sdelay $0x3  }
0x34: {  	[smem:$0x3FB4] =	sst s10  }
0x35: {  	s10 =	sld [smem:$0x3FB3];
	_ =	sdelay $0x3  }
0x36: {  	p1 =	seq.s32 s10, $0x1;
	s10 =	sld [smem:$0x3FB4];
	_ =	sdelay $0x3  }
0x37: {  	[smem:$0x3FB4] =	sst s10  }
0x38: {  	s10 =	sld [smem:$0x3FB5]  }
0x39: {  	_ = 	snop;
	(pc) =	sbr.ind lr, $3  }
0x3a: {  	_ = 	snop  }
0x3b: {  	_ = 	snop  }
0x3c: {  	p2 =	seq.s32 s10, $0x1;
	s10 =	sld [smem:$0x3FB4]  }
0x3d: {  	_ =	shalt  }
0x3e: {  	_ =	shalt  }
0x3f: {  	_ =	shalt  }
0x40: {  	_ =	shalt  }
0x41: {  	_ =	shalt  }
0x42: {  	_ =	shalt  }
0x43: {  	_ =	shalt  }
0x44: {  	_ =	shalt  }
0x45: {  	_ =	shalt  }
0x46: {  	_ =	shalt  }
0x47: {  	_ =	shalt  }
0x48: {  	_ =	shalt  }
0x49: {  	_ =	shalt  }
0x4a: {  	_ =	shalt  }
0x4b: {  	_ =	shalt  }
0x4c: {  	_ =	shalt  }
0x4d: {  	_ =	shalt  }
0x4e: {  	_ =	shalt  }
0x4f: {  	_ =	shalt  }
0x50: {  	_ =	shalt  }
0x51: {  	_ =	shalt  }
0x52: {  	_ =	shalt  }
0x53: {  	_ =	shalt  }
0x54: {  	_ =	shalt  }
0x55: {  	_ =	shalt  }
0x56: {  	_ =	shalt  }
0x57: {  	_ =	shalt  }
0x58: {  	_ =	shalt  }
0x59: {  	_ =	shalt  }
0x5a: {  	_ =	shalt  }
0x5b: {  	_ =	shalt  }
0x5c: {  	_ =	shalt  }
0x5d: {  	_ =	shalt  }
0x5e: {  	_ =	shalt  }
0x5f: {  	_ =	shalt  }
0x60: {  	_ =	shalt  }
0x61: {  	_ =	shalt  }
0x62: {  	_ =	shalt  }
0x63: {  	_ =	shalt  }
0x64: {  	_ =	shalt  }
0x65: {  	_ =	shalt  }
0x66: {  	_ =	shalt  }
0x67: {  	_ =	shalt  }
0x68: {  	_ =	shalt  }
0x69: {  	_ =	shalt  }
0x6a: {  	_ =	shalt  }
0x6b: {  	_ =	shalt  }
0x6c: {  	_ =	shalt  }
0x6d: {  	_ =	shalt  }
0x6e: {  	_ =	shalt  }
0x6f: {  	_ =	shalt  }
0x70: {  	_ =	shalt  }
0x71: {  	_ =	shalt  }
0x72: {  	_ =	shalt  }
0x73: {  	_ =	shalt  }
0x74: {  	_ =	shalt  }
0x75: {  	_ =	shalt  }
0x76: {  	_ =	shalt  }
0x77: {  	_ =	shalt  }
0x78: {  	_ =	shalt  }
0x79: {  	_ =	shalt  }
0x7a: {  	_ =	shalt  }
0x7b: {  	_ =	shalt  }
0x7c: {  	_ =	shalt  }
0x7d: {  	_ =	shalt  }
0x7e: {  	_ =	shalt  }
0x7f: {  	_ =	shalt  }
0x80: {  	_ =	shalt  }
0x81: {  	_ =	shalt  }
0x82: {  	_ =	shalt  }
0x83: {  	_ =	shalt  }
0x84: {  	_ =	shalt  }
0x85: {  	_ =	shalt  }
0x86: {  	_ =	shalt  }
0x87: {  	_ =	shalt  }
.Lfunc_end0:
.L_simem_size_0:
called_computation_lowered:
.L_overlay_start_0:
0x88: {  	s2 =	sld [smem:$0x3FD9]  }
0x89: {  	s3 =	sld [smem:$0x3FFE];
	_ =	sdelay $0x1  }
0x8a: {  	s1 =	srdreg.scid  }
0x8b: {  	s0 =	sand.u32 $0x1, s1  }
0x8c: {  	s17 =	sshll.u32 s0, $0xA;
	s2 =	sadd.s32 s3, s2  }
0x8d: {  	s2 =	sadd.s32 s2, s17  }
0x8e: {  	[smem:$0x3FC0] =	sst s2  }
0x8f: {  	_ = 	snop  }
0x90: {  	s2 =	sld [smem:$0x3FC9]  }
0x91: {  	s18 =	sld [smem:$0x3FD0];
	(tm) =	ssettm $0x1  }
0x92: {  	s4 =	sld [smem:$0x3FFB];
	_ =	sdelay $0x3  }
0x93: {  	_ =	strace s4  }
0x94: {  	s4 =	sld [smem:$0x3FFC];
	_ =	sdelay $0x3  }
0x95: {  	_ =	strace s4  }
0x96: {  	s4 =	sld [smem:$0x3FFD];
	_ =	sdelay $0x3  }
0x97: {  	_ =	strace s4  }
0x98: {  	_ =	strace $0x8FFFFFFF  }
0x99: {  	s19 =	sld [smem:$0x3FDB];
	_ =	sdelay $0x1  }
0x9a: {  	s5 =	simm.s32 $_scs_section_size  }
0x9b: {  	s6 =	simm.s32 $_size__tile_overlayer_lowered;
	s7 =	simm.s32 $_tile_overlayer_lowered  }
0x9c: {  	s22 =	simm.s32 $0x1BFF;
	s21 =	sshll.u32 s7, $0x1;
	s4 =	sadd.s32 s5, s19  }
0x9d: {  	s8 =	simm.s32 $0x0;
	s20 =	sshll.u32 s6, $0x1;
	s6 =	sadd.s32 s21, s4  }
0x9e: {  	[timem:s8], [sflag:s22] =	dma.local [hbm:s6], s20  }
0x9f: {  	_ =	swait.ge [sflag:s22], s20  }
0xa0: {  	s5 =	ssub.s32 $0x0, s20;
	[sflag:s22] =	ssyncset.done $0x0  }
0xa1: {  	[sflag:s22] =	ssyncadd.s32 s5;
	_ =	sdelay $0x1  }
0xa2: {  	s23 =	simm.s32 $0x1B8B  }
0xa3: {  	_ =	swait.ge [sflag:s23], $0x1  }
0xa4: {  	[sflag:s23] =	ssyncset.done $0x0  }
0xa5: {  	s25 =	simm.s32 $0x1B8E;
	s24 =	sld [smem:$0x3FFE];
	[sflag:s23] =	ssyncadd.s32 $0xFFFFFFFF  }
0xa6: {  	s26 =	simm.s32 $execute0_lowered;
	[smem:$0x3FD2] =	sst s25  }
0xa7: {  	s6 =	sshll.u32 s26, $0x1;
	_ =	strace $0x80000046;
	[dreg:$0x1] =	wrdreg $0xFFFFFFFF  }
0xa8: {  	s28 =	simm.s32 $_size_execute0_lowered;
	s4 =	sadd.s32 s4, s6;
	[dreg:$0x0] =	wrdreg $0x0  }
0xa9: {  	s6 =	sshll.u32 s28, $0x1;
	[dreg:$0x2] =	wrdreg s4  }
0xaa: {  	[dreg:$0x3] =	wrdreg s6  }
0xab: {  	[dreg:$0x4] =	wrdreg $0xC0  }
0xac: {  	_ =	task [dreg:s8], $0x5FFFF  }
0xad: {  	[dreg:$0x1] =	wrdreg $0xFFFFFFFF  }
0xae: {  	[dreg:$0x0] =	wrdreg $0x60  }
0xaf: {  	[dreg:$0x2] =	wrdreg s2  }
0xb0: {  	[dreg:$0x3] =	wrdreg s18  }
0xb1: {  	[dreg:$0x4] =	wrdreg s24  }
0xb2: {  	[dreg:$0x5] =	wrdreg $0x9E200  }
0xb3: {  	[dreg:$0x6] =	wrdreg $0x1D9200  }
0xb4: {  	[dreg:$0x7] =	wrdreg $0x9  }
0xb5: {  	_ =	task.clear_ibuf [dreg:s8], $0x8FFFF;
	_ =	strace $0x90000046  }
0xb6: {  	s29 =	simm.s32 $0x9;
	_ =	strace $0x80000048  }
0xb7: {  	_ =	swait.ge [sflag:s29], $0x1  }
0xb8: {  	[sflag:s29] =	ssyncadd.s32 $0xFFFFFFFF  }
0xb9: {  	_ =	strace $0x90000048  }
0xba: {  	_ =	sfence  }
0xbb: {  	s30 =	sld [smem:$0x0];
	_ =	sdelay $0x2  }
0xbc: {  	s31 =	sshll.u32 s1, $0xD;
	s1 =	sshrl.u32 s1, $0x2  }
0xbd: {  	s3 =	sand.u32 $0x4000, s31;
	s1 =	sadd.s32 s1, s30  }
0xbe: {  	s0 =	sor.u32 s3, s0;
	s1 =	sshll.u32 s1, $0x11  }
0xbf: {  	s0 =	sor.u32 s1, s0  }
0xc0: {  	s0 =	sadd.s32 $0x8F2B, s0  }
0xc1: {  	[sflag:s0] =	ssyncadd.remote.s32 $0x1  }
0xc2: {  	_ =	sfence.sel $0xFFFF  }
0xc3: {  	[dreg:$0x0] =	wrdreg $0xFFFFFFFF;
	(pc) =	sbr.abs _section_cstart, $3  }
0xc4: {  	[dreg:$0x1] =	wrdreg $0xFFFFFFFF  }
0xc5: {  	_ =	task.clear_ibuf [dreg:s8], $0x2FFFF;
	_ =	strace $0x9FFFFFFF  }
0xc6: {  	(tm) =	ssettm $0x7FFFFFFF  }
0xc7: {  	_ =	shalt  }
tec
execute0_lowered:
.L_overlay_start_1:
0x0: {  	(tag) =	ssettag $0x1  }
0x1: {  	s1 =	rddreg [dreg:$0x0]  }
0x2: {  	s0 =	rddreg [dreg:$0x1]  }
0x3: {  	s2 =	rddreg [dreg:$0x2]  }
0x4: {  	s3 =	rddreg [dreg:$0x3]  }
0x5: {  	s4 =	rddreg [dreg:$0x4]  }
0x6: {  	s6 =	srdreg.scid;
	s17 =	stileid.u32  }
0x7: {  	s5 =	simm.s32 $0x0;
	s18 =	simm.s32 $0x1D6A0;
	s20 =	simm.s32 $0x50  }
0x8: {  	s21 =	simm.s32 $0x4E20;
	s22 =	simm.s32 $0x7620;
	s23 =	simm.s32 $0x1  }
0x9: {  	s24 =	simm.s32 $0x3;
	s28 =	simm.s32 $0x4D30;
	s30 =	simm.s32 $0x4D80  }
0xa: {  	s31 =	simm.s32 $0x4DD0;
	s9 =	sand.u32 $0x1, s6;
	s10 =	smul.u32 $0x13880, s17  }
0xb: {  	[smem:$0x7FF] =	sst s5;
	s6 =	sadd.s32 $0x2200, s2;
	s11 =	smul.u32 $0x1388, s17  }
0xc: {  	s7 =	sadd.s32 $0x4A00, s2;
	s25 =	sshll.u32 s17, $0x6;
	s8 =	smul.u32 $0x138800, s9  }
0xd: {  	s13 =	smul.u32 $0x13880, s9;
	s14 =	sshll.u32 s9, $0x4;
	s9 =	ssub.s32 $0x2, s9  }
0xe: {  	_ =	strace $0x80000047;
	s14 =	sor.u32 s17, s14;
	s15 =	sshrl.u32 s9, $0x1  }
0xf: {  	s16 =	sadd.s32 s10, s3;
	s29 =	sadd.s32 s11, s4;
	s12 =	sadd.s32 s10, s8  }
0x10: {  	s8 =	sadd.s32 $0x4E00, s2;
	s13 =	sadd.s32 s11, s13;
	s14 =	smul.u32 $0x2710, s14  }
0x11: {  	s15 =	ssub.s32 s9, s15;
	s9 =	sor.u32 $0x1C05, s25;
	s17 =	sshrl.u32 s29, $0x3  }
0x12: {  	s25 =	simm.s32 $0x2;
	s12 =	sshrl.u32 s12, $0x3;
	s13 =	sshrl.u32 s13, $0x3  }
0x13: {  	s12 =	sadd.s32 s12, s2;
	s2 =	sadd.s32 s13, s2;
	s26 =	sshrl.u32 s14, $0x3  }
0x14: {  	s14 =	smax.u32 s15, $0x1;
	s15 =	sshrl.u32 s16, $0x3;
	s16 =	simm.s32 $0x5  }
0x15: {  	s10 =	sadd.s32 s0, s26;
	s12 =	sadd.s32 $0xA000, s12;
	s13 =	sadd.s32 $0x5000, s2  }
0x16: {  	s26 =	simm.s32 $0x4;
	s0 =	simm.s32 $0x0;
	s11 =	sadd.s32 $0x9C40, s10  }
.LBB2_1:
0x17: {  	[spmem:s15], [sflag:s9] =	dma.local [hbm:s6], $0x2710  }
0x18: {  	_ =	swait.ge [sflag:s16], $0x2710  }
0x19: {  	[sflag:s16] =	ssyncset.done $0x0  }
0x1a: {  	[sflag:s16] =	ssyncadd.s32 $0xFFFFD8F0  }
0x1b: {  	[spmem:s17], [sflag:s9] =	dma.local [hbm:s7], $0x271  }
0x1c: {  	_ =	swait.ge [sflag:s16], $0x271  }
0x1d: {  	[sflag:s16] =	ssyncset.done $0x0  }
0x1e: {  	[sflag:s16] =	ssyncadd.s32 $0xFFFFFD8F  }
0x1f: {  	[tilespmem:s18], [sflag:$0x5] =	stream.linear.gather [hbm4b:s8+s5], $0x280, $0x38;
	[tilespmem:$0x1ECA8] =	vst v63  }
0x20: {  	_ =	swait.ge [sflag:s16], $0x280  }
0x21: {  	[sflag:s16] =	ssyncset.done $0x0  }
0x22: {  	[sflag:s16] =	ssyncadd.s32 $0xFFFFFD80  }
0x23: {  	[tilespmem:s5], [sflag:$0x5] =	stream.linear.gather [hbm4b:s10+s5], $0x2710, $0x38;
	[tilespmem:$0x1ECA8] =	vst v63  }
0x24: {  	_ =	swait.ge [sflag:s16], $0x2710  }
0x25: {  	[sflag:s16] =	ssyncset.done $0x0  }
0x26: {  	s2 =	simm.s32 $0x2710;
	[sflag:s16] =	ssyncadd.s32 $0xFFFFD8F0  }
0x27: {  	[tilespmem:s2], [sflag:$0x5] =	stream.linear.gather [hbm4b:s11+s5], $0x2710, $0x38;
	[tilespmem:$0x1ECA8] =	vst v63  }
0x28: {  	_ =	swait.ge [sflag:s16], $0x2710  }
0x29: {  	[sflag:s16] =	ssyncset.done $0x0  }
0x2a: {  	[sflag:s16] =	ssyncadd.s32 $0xFFFFD8F0  }
0x2b: {  	[bflag:$0x0] =	sbarrier.arrive $0xFFFF  }
0x2c: {  	[tilespmem:s21], [sflag:$0x1] =	stream.indirect.gather [hbm4b:s1+s20], $0x80, s5, s20, $0xb8;
	[tilespmem:$0x1ECA8] =	vst v63  }
0x2d: {  	_ = 	snop  }
0x2e: {  	[tilespmem:s22], [sflag:$0x2] =	stream.indirect.gather [hbm4b:s1+s20], $0x80, s20, s20, $0xb8;
	[tilespmem:$0x1ECA8] =	vst v63  }
0x2f: {  	_ =	swait.ge [sflag:s23], $0x2800  }
0x30: {  	[sflag:s23] =	ssyncset.done $0x0  }
0x31: {  	s29 =	simm.s32 $0x2710;
	[sflag:s23] =	ssyncadd.s32 $0xFFFFD800  }
0x32: {  	[spmem:s3] =	stream.indirect.scatter.add.f32 [tilespmem:s21], [sflag:$0x3], $0x80, s29, s20, $0xb8;
	[tilespmem:$0x1ECA8] =	vst v63  }
0x33: {  	_ = 	snop  }
0x34: {  	[spmem:s4] =	stream.indirect.scatter.add.f32 [tilespmem:s18], [sflag:$0x3], $0x8, s29, s20, $0xb8;
	[tilespmem:$0x1ECA8] =	vst v63  }
0x35: {  	_ =	swait.ge [sflag:s24], $0x2800  }
0x36: {  	[sflag:s24] =	ssyncset.done $0x0  }
0x37: {  	[sflag:s24] =	ssyncadd.s32 $0xFFFFD800  }
0x38: {  	_ =	swait.ge [sflag:s24], $0x280  }
0x39: {  	[sflag:s24] =	ssyncset.done $0x0  }
0x3a: {  	s19 =	simm.s32 $0xA0;
	[sflag:s24] =	ssyncadd.s32 $0xFFFFFD80  }
0x3b: {  	[tilespmem:s21], [sflag:$0x1] =	stream.indirect.gather [hbm4b:s1+s20], $0x80, s19, s20, $0xb8;
	[tilespmem:$0x1ECA8] =	vst v63  }
0x3c: {  	_ =	swait.ge [sflag:s25], $0x2800  }
0x3d: {  	[sflag:s25] =	ssyncset.done $0x0  }
0x3e: {  	s29 =	simm.s32 $0x2760;
	[sflag:s25] =	ssyncadd.s32 $0xFFFFD800  }
0x3f: {  	[spmem:s3] =	stream.indirect.scatter.add.f32 [tilespmem:s22], [sflag:$0x4], $0x80, s29, s20, $0xb8;
	[tilespmem:$0x1ECA8] =	vst v63  }
0x40: {  	_ = 	snop  }
0x41: {  	[spmem:s4] =	stream.indirect.scatter.add.f32 [tilespmem:s18], [sflag:$0x4], $0x8, s29, s20, $0xb8;
	[tilespmem:$0x1ECA8] =	vst v63  }
0x42: {  	_ =	swait.ge [sflag:s26], $0x2800  }
0x43: {  	[sflag:s26] =	ssyncset.done $0x0  }
0x44: {  	[sflag:s26] =	ssyncadd.s32 $0xFFFFD800  }
0x45: {  	_ =	swait.ge [sflag:s26], $0x280  }
0x46: {  	[sflag:s26] =	ssyncset.done $0x0  }
0x47: {  	s2 =	simm.s32 $0x280;
	s19 =	simm.s32 $0xF0;
	[sflag:s26] =	ssyncadd.s32 $0xFFFFFD80  }
.LBB2_2:
0x48: {  	[tilespmem:s22], [sflag:$0x2] =	stream.indirect.gather [hbm4b:s1+s20], $0x80, s19, s20, $0xb8;
	[tilespmem:$0x1ECA8] =	vst v63  }
0x49: {  	s19 =	smov.u32 s2  }
0x4a: {  	p0 =	sne.s32 s2, $0x9600;
	s2 =	sadd.s32 $0x280, s2;
	_ =	swait.ge [sflag:s23], $0x2800  }
0x4b: {  	s19 =	sshra.s32 s19, $0x2;
	[sflag:s23] =	ssyncset.done $0x0  }
0x4c: {  	s29 =	sadd.s32 $0x2710, s19;
	[sflag:s23] =	ssyncadd.s32 $0xFFFFD800  }
0x4d: {  	[spmem:s3] =	stream.indirect.scatter.add.f32 [tilespmem:s21], [sflag:$0x3], $0x80, s29, s20, $0xb8;
	[tilespmem:$0x1ECA8] =	vst v63  }
0x4e: {  	_ = 	snop  }
0x4f: {  	[spmem:s4] =	stream.indirect.scatter.add.f32 [tilespmem:s18], [sflag:$0x3], $0x8, s29, s20, $0xb8;
	[tilespmem:$0x1ECA8] =	vst v63  }
0x50: {  	_ =	swait.ge [sflag:s24], $0x2800  }
0x51: {  	[sflag:s24] =	ssyncset.done $0x0  }
0x52: {  	[sflag:s24] =	ssyncadd.s32 $0xFFFFD800  }
0x53: {  	_ =	swait.ge [sflag:s24], $0x280  }
0x54: {  	[sflag:s24] =	ssyncset.done $0x0  }
0x55: {  	s29 =	sadd.s32 $0xA0, s19;
	[sflag:s24] =	ssyncadd.s32 $0xFFFFFD80  }
0x56: {  	[tilespmem:s21], [sflag:$0x1] =	stream.indirect.gather [hbm4b:s1+s20], $0x80, s29, s20, $0xb8;
	[tilespmem:$0x1ECA8] =	vst v63  }
0x57: {  	_ =	swait.ge [sflag:s25], $0x2800  }
0x58: {  	[sflag:s25] =	ssyncset.done $0x0  }
0x59: {  	s29 =	sadd.s32 $0x2760, s19;
	[sflag:s25] =	ssyncadd.s32 $0xFFFFD800  }
0x5a: {  	[spmem:s3] =	stream.indirect.scatter.add.f32 [tilespmem:s22], [sflag:$0x4], $0x80, s29, s20, $0xb8;
	[tilespmem:$0x1ECA8] =	vst v63  }
0x5b: {  	_ = 	snop  }
0x5c: {  	[spmem:s4] =	stream.indirect.scatter.add.f32 [tilespmem:s18], [sflag:$0x4], $0x8, s29, s20, $0xb8;
	[tilespmem:$0x1ECA8] =	vst v63  }
0x5d: {  	_ =	swait.ge [sflag:s26], $0x2800  }
.Ltmp0:
0x5e: {  	[sflag:s26] =	ssyncset.done $0x0;
	(pc) =	sbr.rel @p0 .LBB2_2-.Ltmp0, $4  }
0x5f: {  	[sflag:s26] =	ssyncadd.s32 $0xFFFFD800  }
0x60: {  	_ =	swait.ge [sflag:s26], $0x280  }
0x61: {  	[sflag:s26] =	ssyncset.done $0x0  }
0x62: {  	s19 =	sadd.s32 $0xF0, s19;
	[sflag:s26] =	ssyncadd.s32 $0xFFFFFD80  }
0x63: {  	[tilespmem:s22], [sflag:$0x2] =	stream.indirect.gather [hbm4b:s1+s20], $0x80, s19, s20, $0xb8;
	[tilespmem:$0x1ECA8] =	vst v63  }
0x64: {  	_ =	swait.ge [sflag:s23], $0x2800  }
0x65: {  	[sflag:s23] =	ssyncset.done $0x0  }
0x66: {  	[sflag:s23] =	ssyncadd.s32 $0xFFFFD800  }
0x67: {  	[spmem:s3] =	stream.indirect.scatter.add.f32 [tilespmem:s21], [sflag:$0x3], $0x80, s28, s20, $0xb8;
	[tilespmem:$0x1ECA8] =	vst v63  }
0x68: {  	_ = 	snop  }
0x69: {  	[spmem:s4] =	stream.indirect.scatter.add.f32 [tilespmem:s18], [sflag:$0x3], $0x8, s28, s20, $0xb8;
	[tilespmem:$0x1ECA8] =	vst v63  }
0x6a: {  	_ =	swait.ge [sflag:s24], $0x2800  }
0x6b: {  	[sflag:s24] =	ssyncset.done $0x0  }
0x6c: {  	[sflag:s24] =	ssyncadd.s32 $0xFFFFD800  }
0x6d: {  	_ =	swait.ge [sflag:s24], $0x280  }
0x6e: {  	[sflag:s24] =	ssyncset.done $0x0  }
0x6f: {  	s2 =	simm.s32 $0x26C0;
	[sflag:s24] =	ssyncadd.s32 $0xFFFFFD80  }
0x70: {  	[tilespmem:s21], [sflag:$0x1] =	stream.indirect.gather [hbm4b:s1+s20], $0x80, s2, s20, $0xb8;
	[tilespmem:$0x1ECA8] =	vst v63  }
0x71: {  	_ =	swait.ge [sflag:s25], $0x2800  }
0x72: {  	[sflag:s25] =	ssyncset.done $0x0  }
0x73: {  	[sflag:s25] =	ssyncadd.s32 $0xFFFFD800  }
0x74: {  	[spmem:s3] =	stream.indirect.scatter.add.f32 [tilespmem:s22], [sflag:$0x4], $0x80, s30, s20, $0xb8;
	[tilespmem:$0x1ECA8] =	vst v63  }
0x75: {  	_ = 	snop  }
0x76: {  	[spmem:s4] =	stream.indirect.scatter.add.f32 [tilespmem:s18], [sflag:$0x4], $0x8, s30, s20, $0xb8;
	[tilespmem:$0x1ECA8] =	vst v63  }
0x77: {  	_ =	swait.ge [sflag:s26], $0x2800  }
0x78: {  	[sflag:s26] =	ssyncset.done $0x0  }
0x79: {  	[sflag:s26] =	ssyncadd.s32 $0xFFFFD800  }
0x7a: {  	_ =	swait.ge [sflag:s26], $0x280  }
0x7b: {  	[sflag:s26] =	ssyncset.done $0x0  }
0x7c: {  	[sflag:s26] =	ssyncadd.s32 $0xFFFFFD80  }
0x7d: {  	_ =	swait.ge [sflag:s23], $0x2800  }
0x7e: {  	[sflag:s23] =	ssyncset.done $0x0  }
0x7f: {  	[sflag:s23] =	ssyncadd.s32 $0xFFFFD800  }
0x80: {  	[spmem:s3] =	stream.indirect.scatter.add.f32 [tilespmem:s21], [sflag:$0x3], $0x80, s31, s20, $0xb8;
	[tilespmem:$0x1ECA8] =	vst v63  }
0x81: {  	_ = 	snop  }
0x82: {  	[spmem:s4] =	stream.indirect.scatter.add.f32 [tilespmem:s18], [sflag:$0x3], $0x8, s31, s20, $0xb8;
	[tilespmem:$0x1ECA8] =	vst v63  }
0x83: {  	_ =	swait.ge [sflag:s24], $0x2800  }
0x84: {  	[sflag:s24] =	ssyncset.done $0x0  }
0x85: {  	[sflag:s24] =	ssyncadd.s32 $0xFFFFD800  }
0x86: {  	_ =	swait.ge [sflag:s24], $0x280  }
0x87: {  	[sflag:s24] =	ssyncset.done $0x0  }
0x88: {  	[sflag:s24] =	ssyncadd.s32 $0xFFFFFD80  }
0x89: {  	[bflag:$0x0] =	sbarrier.arrive $0xFFFF  }
0x8a: {  	[hbm:s12], [sflag:s9] =	dma.local [spmem:s15], $0x2710  }
0x8b: {  	s0 =	sadd.s32 $0x1, s0;
	_ =	swait.ge [sflag:s16], $0x2710  }
0x8c: {  	p0 =	sne.s32 s0, s14;
	[sflag:s16] =	ssyncset.done $0x0  }
.Ltmp1:
0x8d: {  	[sflag:s16] =	ssyncadd.s32 $0xFFFFD8F0;
	(pc) =	sbr.rel @p0 .LBB2_1-.Ltmp1, $4  }
0x8e: {  	[hbm:s13], [sflag:s9] =	dma.local [spmem:s17], $0x271  }
0x8f: {  	_ =	swait.ge [sflag:s16], $0x271  }
0x90: {  	[sflag:s16] =	ssyncset.done $0x0  }
0x91: {  	[sflag:s16] =	ssyncadd.s32 $0xFFFFFD8F  }
0x92: {  	_ =	sfence.sel $0x180000  }
0x93: {  	[bflag:$0x0] =	sbarrier.arrive $0xFFFF  }
0x94: {  	_ =	strace $0x90000047  }
0x95: {  	s0 =	stileid.u32;
	[bflag:$0x2] =	sbarrier.arrive $0xFFFF  }
0x96: {  	p0 =	sne.s32 s0, $0x0;
	s0 =	rddreg [dreg:$0x5]  }
0x97: {  	s0 =	sadd.s32 @!p0 $0x100000, s0  }
0x98: {  	[sflag:s0] =	ssyncadd.tile.s32 @!p0 $0x1;
	_ =	shalt  }
.Lfunc_end2:
_tile_overlayer_lowered:
.L_overlay_start_2:
0x99: {  	(tag) =	ssettag $0x2  }
0x9a: {  	s0 =	rddreg [dreg:$0x0];
	s2 =	stileid.u32  }
0x9b: {  	s1 =	rddreg [dreg:$0x1];
	p0 =	sne.s32 s2, $0x0  }
0x9c: {  	s3 =	rddreg [dreg:$0x2];
	[bflag:$0x3] =	sbarrier.arrive $0xFFFF;
	s2 =	simm.s32 @!p0 $0x1C05  }
0x9d: {  	[timem:s3], [sflag:s2] =	dma.local @!p0 [hbm:s0], s1  }
0x9e: {  	s0 =	simm.s32 @!p0 $0x5  }
0x9f: {  	_ =	swait.ge @!p0 [sflag:s0], s1  }
0xa0: {  	s1 =	ssub.s32 @!p0 $0x0, s1;
	[sflag:s0] =	ssyncset.done @!p0 $0x0  }
0xa1: {  	[sflag:s0] =	ssyncadd.s32 @!p0 s1  }
0xa2: {  	[bflag:$0x3] =	sbarrier.arrive $0xFFFF  }
0xa3: {  	_ =	shalt  }

// kernel: kernel.9.cloned.1.call-start
scs
__scs_entry_jumppad:
0x0: {  	(pc) =	sbr.rel $0x88, $3  }
0x1: {  	(tag) =	ssettag $0x0;
	lr =	simm.s32 $0x1  }
0x2: {  	[smem:$0x3F99] =	sst lr;
	_ =	strace $0xD0000000  }
0x3: {  	_ = 	snop  }
0x4: {  	_ = 	snop  }
0x5: {  	_ = 	snop  }
0x6: {  	_ = 	snop  }
0x7: {  	_ = 	snop  }
__scs_overlays_trampoline_lowered:
0x8: {  	[smem:$0x3FA8] =	sst s0  }
0x9: {  	[smem:$0x3FA9] =	sst s1  }
0xa: {  	[smem:$0x3FAA] =	sst s2  }
0xb: {  	[smem:$0x3FAB] =	sst s3  }
0xc: {  	[smem:$0x3FAC] =	sst s4  }
0xd: {  	[smem:$0x3FAD] =	sst s5  }
0xe: {  	[smem:$0x3FAE] =	sst s6  }
0xf: {  	[smem:$0x3FAF] =	sst s7  }
0x10: {  	[smem:$0x3FB0] =	sst s8  }
0x11: {  	[smem:$0x3FB1] =	sst s9;
	s0 =	simm.s32 @!p0 $0x0  }
0x12: {  	s1 =	sld [smem:$0x3F97];
	s0 =	simm.s32 @p0 $0x1  }
0x13: {  	[smem:$0x3FB2] =	sst s0;
	s0 =	simm.s32 @!p1 $0x0  }
0x14: {  	s2 =	sld [smem:$0x3F96];
	s0 =	simm.s32 @p1 $0x1  }
0x15: {  	[smem:$0x3FB3] =	sst s0;
	s0 =	simm.s32 @!p2 $0x0  }
0x16: {  	s3 =	sld [smem:$0x3FDB];
	s0 =	simm.s32 @p2 $0x1  }
0x17: {  	s4 =	simm.s32 $0x1BF5;
	[smem:$0x3FB5] =	sst s0  }
0x18: {  	s0 =	sld [smem:$0x3F98];
	_ =	swait.ge [sflag:s4], $0x0  }
0x19: {  	s7 =	sld [smem:$0x3F99]  }
0x1a: {  	s8 =	sadd.s32 $0xFFFFE003, lr  }
0x1b: {  	s9 =	sadd.s32 $0xFFFFFEF7, lr;
	s5 =	simm.s32 $0xFFFFFFFF;
	p2 =	slt.u32 s8, $0xFFFFF086  }
0x1c: {  	p1 =	slt.u32 s9, $0xF7A;
	s5 =	simm.s32 @!p2 $0x0  }
0x1d: {  	s5 =	simm.s32 @p1 $0x1;
	p0 =	seq.s32 s7, s2  }
0x1e: {  	s7 =	smul.u32 @!p0 $0xF7A, s2;
	p2 =	seq.s32 @!p0 s5, $0x0  }
0x1f: {  	s9 =	smul.u32 $0xF7A, s1;
	s8 =	simm.s32 @!p0 $0x1BF5;
	p2 =	por !p2, p0  }
0x20: {  	[sflag:s8] =	ssyncset.s32 @!p0 $0xFFFFF086;
	s6 =	sadd.s32 @!p0 s3, s7;
	s7 =	simm.s32 @!p0 $0x108  }
0x21: {  	s3 =	sadd.s32 s3, s9;
	s6 =	sadd.s32 @!p0 $0x88, s6;
	s7 =	simm.s32 @p2 $0x1082  }
0x22: {  	[simem:s7], [sflag:s8] =	dma.local @!p0 [hbm:s6], $0xF7A  }
0x23: {  	s9 =	sor.u32 $0xD0000000, s2;
	s6 =	simm.s32 $0x108;
	_ =	swait.ge @!p0 [sflag:s8], $0x0  }
0x24: {  	s3 =	sadd.s32 $0x88, s3;
	s6 =	simm.s32 @!p1 $0x1082;
	[sflag:s4] =	ssyncset.s32 $0xFFFFF086  }
0x25: {  	[simem:s6], [sflag:s4] =	dma.local [hbm:s3], $0xF7A  }
0x26: {  	[smem:$0x3F99] =	sst s1;
	(tag) =	ssettag s2;
	_ =	strace s9  }
0x27: {  	s1 =	sld [smem:$0x3FA9]  }
0x28: {  	s2 =	sld [smem:$0x3FAA]  }
0x29: {  	s4 =	sld [smem:$0x3FAC]  }
0x2a: {  	p0 =	seq.s32 s5, $0x0;
	s5 =	sld [smem:$0x3FAD]  }
0x2b: {  	s6 =	sld [smem:$0x3FAE]  }
0x2c: {  	s7 =	sld [smem:$0x3FAF]  }
0x2d: {  	s3 =	simm.s32 $0x108;
	s8 =	sld [smem:$0x3FB0]  }
0x2e: {  	s3 =	simm.s32 @!p0 $0x1082;
	s9 =	sld [smem:$0x3FB1]  }
0x2f: {  	lr =	sadd.s32 s0, s3;
	s0 =	sld [smem:$0x3FA8]  }
0x30: {  	s3 =	sld [smem:$0x3FAB]  }
0x31: {  	[smem:$0x3FB4] =	sst s10  }
0x32: {  	s10 =	sld [smem:$0x3FB2];
	_ =	sdelay $0x3  }
0x33: {  	p0 =	seq.s32 s10, $0x1;
	s10 =	sld [smem:$0x3FB4];
	_ =	sdelay $0x3  }
0x34: {  	[smem:$0x3FB4] =	sst s10  }
0x35: {  	s10 =	sld [smem:$0x3FB3];
	_ =	sdelay $0x3  }
0x36: {  	p1 =	seq.s32 s10, $0x1;
	s10 =	sld [smem:$0x3FB4];
	_ =	sdelay $0x3  }
0x37: {  	[smem:$0x3FB4] =	sst s10  }
0x38: {  	s10 =	sld [smem:$0x3FB5]  }
0x39: {  	_ = 	snop;
	(pc) =	sbr.ind lr, $3  }
0x3a: {  	_ = 	snop  }
0x3b: {  	_ = 	snop  }
0x3c: {  	p2 =	seq.s32 s10, $0x1;
	s10 =	sld [smem:$0x3FB4]  }
0x3d: {  	_ =	shalt  }
0x3e: {  	_ =	shalt  }
0x3f: {  	_ =	shalt  }
0x40: {  	_ =	shalt  }
0x41: {  	_ =	shalt  }
0x42: {  	_ =	shalt  }
0x43: {  	_ =	shalt  }
0x44: {  	_ =	shalt  }
0x45: {  	_ =	shalt  }
0x46: {  	_ =	shalt  }
0x47: {  	_ =	shalt  }
0x48: {  	_ =	shalt  }
0x49: {  	_ =	shalt  }
0x4a: {  	_ =	shalt  }
0x4b: {  	_ =	shalt  }
0x4c: {  	_ =	shalt  }
0x4d: {  	_ =	shalt  }
0x4e: {  	_ =	shalt  }
0x4f: {  	_ =	shalt  }
0x50: {  	_ =	shalt  }
0x51: {  	_ =	shalt  }
0x52: {  	_ =	shalt  }
0x53: {  	_ =	shalt  }
0x54: {  	_ =	shalt  }
0x55: {  	_ =	shalt  }
0x56: {  	_ =	shalt  }
0x57: {  	_ =	shalt  }
0x58: {  	_ =	shalt  }
0x59: {  	_ =	shalt  }
0x5a: {  	_ =	shalt  }
0x5b: {  	_ =	shalt  }
0x5c: {  	_ =	shalt  }
0x5d: {  	_ =	shalt  }
0x5e: {  	_ =	shalt  }
0x5f: {  	_ =	shalt  }
0x60: {  	_ =	shalt  }
0x61: {  	_ =	shalt  }
0x62: {  	_ =	shalt  }
0x63: {  	_ =	shalt  }
0x64: {  	_ =	shalt  }
0x65: {  	_ =	shalt  }
0x66: {  	_ =	shalt  }
0x67: {  	_ =	shalt  }
0x68: {  	_ =	shalt  }
0x69: {  	_ =	shalt  }
0x6a: {  	_ =	shalt  }
0x6b: {  	_ =	shalt  }
0x6c: {  	_ =	shalt  }
0x6d: {  	_ =	shalt  }
0x6e: {  	_ =	shalt  }
0x6f: {  	_ =	shalt  }
0x70: {  	_ =	shalt  }
0x71: {  	_ =	shalt  }
0x72: {  	_ =	shalt  }
0x73: {  	_ =	shalt  }
0x74: {  	_ =	shalt  }
0x75: {  	_ =	shalt  }
0x76: {  	_ =	shalt  }
0x77: {  	_ =	shalt  }
0x78: {  	_ =	shalt  }
0x79: {  	_ =	shalt  }
0x7a: {  	_ =	shalt  }
0x7b: {  	_ =	shalt  }
0x7c: {  	_ =	shalt  }
0x7d: {  	_ =	shalt  }
0x7e: {  	_ =	shalt  }
0x7f: {  	_ =	shalt  }
0x80: {  	_ =	shalt  }
0x81: {  	_ =	shalt  }
0x82: {  	_ =	shalt  }
0x83: {  	_ =	shalt  }
0x84: {  	_ =	shalt  }
0x85: {  	_ =	shalt  }
0x86: {  	_ =	shalt  }
0x87: {  	_ =	shalt  }
.Lfunc_end0:
.L_simem_size_0:
called_computation.1_lowered:
.L_overlay_start_0:
0x88: {  	s2 =	sld [smem:$0x3FD9]  }
0x89: {  	s3 =	sld [smem:$0x3FFE];
	_ =	sdelay $0x1  }
0x8a: {  	s1 =	srdreg.scid  }
0x8b: {  	s0 =	sand.u32 $0x1, s1  }
0x8c: {  	s17 =	sshll.u32 s0, $0xA;
	s2 =	sadd.s32 s3, s2  }
0x8d: {  	s2 =	sadd.s32 s2, s17  }
0x8e: {  	[smem:$0x3FC0] =	sst s2  }
0x8f: {  	_ = 	snop  }
0x90: {  	s2 =	sld [smem:$0x3FD0];
	(tm) =	ssettm $0x1  }
0x91: {  	s18 =	sld [smem:$0x3FFB];
	_ =	sdelay $0x3  }
0x92: {  	_ =	strace s18  }
0x93: {  	s3 =	sld [smem:$0x3FFC];
	_ =	sdelay $0x3  }
0x94: {  	_ =	strace s3  }
0x95: {  	s3 =	sld [smem:$0x3FFD];
	_ =	sdelay $0x3  }
0x96: {  	_ =	strace s3  }
0x97: {  	_ =	strace $0x8FFFFFFF  }
0x98: {  	s19 =	sld [smem:$0x3FDB];
	_ =	sdelay $0x1  }
0x99: {  	s4 =	simm.s32 $_scs_section_size  }
0x9a: {  	s5 =	simm.s32 $_size__tile_overlayer_lowered;
	s6 =	simm.s32 $_tile_overlayer_lowered  }
0x9b: {  	s22 =	simm.s32 $0x1BFF;
	s21 =	sshll.u32 s6, $0x1;
	s3 =	sadd.s32 s4, s19  }
0x9c: {  	s7 =	simm.s32 $0x0;
	s20 =	sshll.u32 s5, $0x1;
	s5 =	sadd.s32 s21, s3  }
0x9d: {  	[timem:s7], [sflag:s22] =	dma.local [hbm:s5], s20  }
0x9e: {  	_ =	swait.ge [sflag:s22], s20  }
0x9f: {  	s4 =	ssub.s32 $0x0, s20;
	[sflag:s22] =	ssyncset.done $0x0  }
0xa0: {  	[sflag:s22] =	ssyncadd.s32 s4;
	_ =	sdelay $0x1  }
0xa1: {  	s23 =	simm.s32 $0x1B8B  }
0xa2: {  	_ =	swait.ge [sflag:s23], $0x1  }
0xa3: {  	[sflag:s23] =	ssyncset.done $0x0  }
0xa4: {  	s25 =	simm.s32 $0x1B8E;
	s24 =	sld [smem:$0x3FFE];
	[sflag:s23] =	ssyncadd.s32 $0xFFFFFFFF  }
0xa5: {  	s26 =	simm.s32 $execute0_lowered;
	[smem:$0x3FD2] =	sst s25  }
0xa6: {  	s5 =	sshll.u32 s26, $0x1;
	_ =	strace $0x80000049;
	[dreg:$0x1] =	wrdreg $0xFFFFFFFF  }
0xa7: {  	s28 =	simm.s32 $_size_execute0_lowered;
	s3 =	sadd.s32 s3, s5;
	[dreg:$0x0] =	wrdreg $0x0  }
0xa8: {  	s5 =	sshll.u32 s28, $0x1;
	[dreg:$0x2] =	wrdreg s3  }
0xa9: {  	[dreg:$0x3] =	wrdreg s5  }
0xaa: {  	[dreg:$0x4] =	wrdreg $0xC0  }
0xab: {  	_ =	task [dreg:s7], $0x5FFFF  }
0xac: {  	[dreg:$0x1] =	wrdreg $0xFFFFFFFF  }
0xad: {  	[dreg:$0x0] =	wrdreg $0x60  }
0xae: {  	[dreg:$0x2] =	wrdreg s24  }
0xaf: {  	[dreg:$0x3] =	wrdreg s2  }
0xb0: {  	[dreg:$0x4] =	wrdreg $0x76200  }
0xb1: {  	[dreg:$0x5] =	wrdreg $0x9  }
0xb2: {  	_ =	task.clear_ibuf [dreg:s7], $0x6FFFF;
	_ =	strace $0x90000049  }
0xb3: {  	s29 =	simm.s32 $0x9;
	_ =	strace $0x8000004B  }
0xb4: {  	_ =	swait.ge [sflag:s29], $0x1  }
0xb5: {  	[sflag:s29] =	ssyncadd.s32 $0xFFFFFFFF  }
0xb6: {  	_ =	strace $0x9000004B  }
0xb7: {  	_ =	sfence  }
0xb8: {  	s30 =	sld [smem:$0x0];
	_ =	sdelay $0x2  }
0xb9: {  	s31 =	sshll.u32 s1, $0xD;
	s1 =	sshrl.u32 s1, $0x2  }
0xba: {  	s3 =	sand.u32 $0x4000, s31;
	s1 =	sadd.s32 s1, s30  }
0xbb: {  	s0 =	sor.u32 s3, s0;
	s1 =	sshll.u32 s1, $0x11  }
0xbc: {  	s0 =	sor.u32 s1, s0  }
0xbd: {  	s0 =	sadd.s32 $0x8F2B, s0  }
0xbe: {  	[sflag:s0] =	ssyncadd.remote.s32 $0x1  }
0xbf: {  	_ =	sfence.sel $0xFFFF  }
0xc0: {  	[dreg:$0x0] =	wrdreg $0xFFFFFFFF;
	(pc) =	sbr.abs _section_cstart, $3  }
0xc1: {  	[dreg:$0x1] =	wrdreg $0xFFFFFFFF  }
0xc2: {  	_ =	task.clear_ibuf [dreg:s7], $0x2FFFF;
	_ =	strace $0x9FFFFFFF  }
0xc3: {  	(tm) =	ssettm $0x7FFFFFFF  }
tec
execute0_lowered:
.L_overlay_start_1:
0x0: {  	(tag) =	ssettag $0x1  }
0x1: {  	s6 =	rddreg [dreg:$0x0]  }
0x2: {  	s7 =	rddreg [dreg:$0x1]  }
0x3: {  	s2 =	rddreg [dreg:$0x2]  }
0x4: {  	s0 =	rddreg [dreg:$0x3]  }
0x5: {  	s4 =	srdreg.scid;
	s1 =	stileid.u32;
	s3 =	simm.s32 $0x0  }
0x6: {  	s13 =	simm.s32 $0x2710;
	s14 =	simm.s32 $0x50;
	s15 =	simm.s32 $0x4E20  }
0x7: {  	s16 =	simm.s32 $0x6220;
	s17 =	simm.s32 $0x1;
	s18 =	simm.s32 $0x3  }
0x8: {  	s19 =	simm.s32 $0x2;
	s20 =	simm.s32 $0x4;
	s21 =	simm.s32 $0x4D30  }
0x9: {  	s22 =	simm.s32 $0x26C0;
	s23 =	simm.s32 $0x4D80;
	s24 =	simm.s32 $0x4DD0  }
0xa: {  	s25 =	simm.s32 $0x0;
	s5 =	sand.u32 $0x1, s4;
	s8 =	smul.u32 $0x9C40, s1  }
0xb: {  	[smem:$0x7FF] =	sst s3;
	s4 =	sadd.s32 $0x2200, s6;
	s31 =	sshll.u32 s1, $0x6  }
0xc: {  	s9 =	smul.u32 $0x9C400, s5;
	_ =	strace $0x8000004A;
	s10 =	sshll.u32 s5, $0x4  }
0xd: {  	s11 =	ssub.s32 $0x2, s5;
	s5 =	sadd.s32 $0x15C00, s6;
	s10 =	sor.u32 s1, s10  }
0xe: {  	s30 =	sshrl.u32 s11, $0x1;
	s9 =	sadd.s32 s8, s9;
	s10 =	smul.u32 $0x2710, s10  }
0xf: {  	s12 =	sadd.s32 s8, s2;
	s11 =	ssub.s32 s11, s30;
	s9 =	sshrl.u32 s9, $0x3  }
0x10: {  	s9 =	sadd.s32 s9, s6;
	s10 =	sshrl.u32 s10, $0x3;
	s6 =	sor.u32 $0x1C05, s31  }
0x11: {  	s7 =	sadd.s32 s7, s10;
	s9 =	sadd.s32 $0x17000, s9;
	s10 =	smax.u32 s11, $0x1  }
0x12: {  	s11 =	sshrl.u32 s12, $0x3;
	s12 =	simm.s32 $0x5;
	s8 =	sadd.s32 $0x9C40, s7  }
.LBB2_1:
0x13: {  	[spmem:s11], [sflag:s6] =	dma.local [hbm:s5], $0x1388  }
0x14: {  	_ =	swait.ge [sflag:s12], $0x1388  }
0x15: {  	[sflag:s12] =	ssyncset.done $0x0  }
0x16: {  	[sflag:s12] =	ssyncadd.s32 $0xFFFFEC78  }
0x17: {  	[tilespmem:s3], [sflag:$0x5] =	stream.linear.gather [hbm4b:s7+s3], $0x2710, $0x38;
	[tilespmem:$0x11260] =	vst v63  }
0x18: {  	_ =	swait.ge [sflag:s12], $0x2710  }
0x19: {  	[sflag:s12] =	ssyncset.done $0x0  }
0x1a: {  	[sflag:s12] =	ssyncadd.s32 $0xFFFFD8F0  }
0x1b: {  	[tilespmem:s13], [sflag:$0x5] =	stream.linear.gather [hbm4b:s8+s3], $0x2710, $0x38;
	[tilespmem:$0x11260] =	vst v63  }
0x1c: {  	_ =	swait.ge [sflag:s12], $0x2710  }
0x1d: {  	[sflag:s12] =	ssyncset.done $0x0  }
0x1e: {  	[sflag:s12] =	ssyncadd.s32 $0xFFFFD8F0  }
0x1f: {  	[bflag:$0x0] =	sbarrier.arrive $0xFFFF  }
0x20: {  	[tilespmem:s15], [sflag:$0x1] =	stream.indirect.gather [hbm4b:s4+s14], $0x40, s3, s14, $0xb8;
	[tilespmem:$0x11260] =	vst v63  }
0x21: {  	_ = 	snop  }
0x22: {  	[tilespmem:s16], [sflag:$0x2] =	stream.indirect.gather [hbm4b:s4+s14], $0x40, s14, s14, $0xb8;
	[tilespmem:$0x11260] =	vst v63  }
0x23: {  	_ =	swait.ge [sflag:s17], $0x1400  }
0x24: {  	[sflag:s17] =	ssyncset.done $0x0  }
0x25: {  	s26 =	simm.s32 $0x2710;
	[sflag:s17] =	ssyncadd.s32 $0xFFFFEC00  }
0x26: {  	[spmem:s2] =	stream.indirect.scatter.add.f32 [tilespmem:s15], [sflag:$0x3], $0x40, s26, s14, $0xb8;
	[tilespmem:$0x11260] =	vst v63  }
0x27: {  	_ =	swait.ge [sflag:s18], $0x1400  }
0x28: {  	[sflag:s18] =	ssyncset.done $0x0  }
0x29: {  	s30 =	simm.s32 $0xA0;
	[sflag:s18] =	ssyncadd.s32 $0xFFFFEC00  }
0x2a: {  	[tilespmem:s15], [sflag:$0x1] =	stream.indirect.gather [hbm4b:s4+s14], $0x40, s30, s14, $0xb8;
	[tilespmem:$0x11260] =	vst v63  }
0x2b: {  	_ =	swait.ge [sflag:s19], $0x1400  }
0x2c: {  	[sflag:s19] =	ssyncset.done $0x0  }
0x2d: {  	s31 =	simm.s32 $0x2760;
	[sflag:s19] =	ssyncadd.s32 $0xFFFFEC00  }
0x2e: {  	[spmem:s2] =	stream.indirect.scatter.add.f32 [tilespmem:s16], [sflag:$0x4], $0x40, s31, s14, $0xb8;
	[tilespmem:$0x11260] =	vst v63  }
0x2f: {  	_ =	swait.ge [sflag:s20], $0x1400  }
0x30: {  	[sflag:s20] =	ssyncset.done $0x0  }
0x31: {  	s28 =	simm.s32 $0xF0;
	s26 =	simm.s32 $0x280;
	[sflag:s20] =	ssyncadd.s32 $0xFFFFEC00  }
.LBB2_2:
0x32: {  	[tilespmem:s16], [sflag:$0x2] =	stream.indirect.gather [hbm4b:s4+s14], $0x40, s28, s14, $0xb8;
	[tilespmem:$0x11260] =	vst v63  }
0x33: {  	s28 =	smov.u32 s26  }
0x34: {  	p0 =	sne.s32 s26, $0x9600;
	s26 =	sadd.s32 $0x280, s26;
	_ =	swait.ge [sflag:s17], $0x1400  }
0x35: {  	s28 =	sshra.s32 s28, $0x2;
	[sflag:s17] =	ssyncset.done $0x0  }
0x36: {  	s29 =	sadd.s32 $0x2710, s28;
	[sflag:s17] =	ssyncadd.s32 $0xFFFFEC00  }
0x37: {  	[spmem:s2] =	stream.indirect.scatter.add.f32 [tilespmem:s15], [sflag:$0x3], $0x40, s29, s14, $0xb8;
	[tilespmem:$0x11260] =	vst v63  }
0x38: {  	_ =	swait.ge [sflag:s18], $0x1400  }
0x39: {  	[sflag:s18] =	ssyncset.done $0x0  }
0x3a: {  	s29 =	sadd.s32 $0xA0, s28;
	[sflag:s18] =	ssyncadd.s32 $0xFFFFEC00  }
0x3b: {  	[tilespmem:s15], [sflag:$0x1] =	stream.indirect.gather [hbm4b:s4+s14], $0x40, s29, s14, $0xb8;
	[tilespmem:$0x11260] =	vst v63  }
0x3c: {  	_ =	swait.ge [sflag:s19], $0x1400  }
0x3d: {  	[sflag:s19] =	ssyncset.done $0x0  }
.Ltmp0:
0x3e: {  	s29 =	sadd.s32 $0x2760, s28;
	[sflag:s19] =	ssyncadd.s32 $0xFFFFEC00;
	(pc) =	sbr.rel @p0 .LBB2_2-.Ltmp0, $4  }
0x3f: {  	[spmem:s2] =	stream.indirect.scatter.add.f32 [tilespmem:s16], [sflag:$0x4], $0x40, s29, s14, $0xb8;
	[tilespmem:$0x11260] =	vst v63  }
0x40: {  	_ =	swait.ge [sflag:s20], $0x1400  }
0x41: {  	[sflag:s20] =	ssyncset.done $0x0  }
0x42: {  	s28 =	sadd.s32 $0xF0, s28;
	[sflag:s20] =	ssyncadd.s32 $0xFFFFEC00  }
0x43: {  	[tilespmem:s16], [sflag:$0x2] =	stream.indirect.gather [hbm4b:s4+s14], $0x40, s28, s14, $0xb8;
	[tilespmem:$0x11260] =	vst v63  }
0x44: {  	_ =	swait.ge [sflag:s17], $0x1400  }
0x45: {  	[sflag:s17] =	ssyncset.done $0x0  }
0x46: {  	[sflag:s17] =	ssyncadd.s32 $0xFFFFEC00  }
0x47: {  	[spmem:s2] =	stream.indirect.scatter.add.f32 [tilespmem:s15], [sflag:$0x3], $0x40, s21, s14, $0xb8;
	[tilespmem:$0x11260] =	vst v63  }
0x48: {  	_ =	swait.ge [sflag:s18], $0x1400  }
0x49: {  	[sflag:s18] =	ssyncset.done $0x0  }
0x4a: {  	[sflag:s18] =	ssyncadd.s32 $0xFFFFEC00  }
0x4b: {  	[tilespmem:s15], [sflag:$0x1] =	stream.indirect.gather [hbm4b:s4+s14], $0x40, s22, s14, $0xb8;
	[tilespmem:$0x11260] =	vst v63  }
0x4c: {  	_ =	swait.ge [sflag:s19], $0x1400  }
0x4d: {  	[sflag:s19] =	ssyncset.done $0x0  }
0x4e: {  	[sflag:s19] =	ssyncadd.s32 $0xFFFFEC00  }
0x4f: {  	[spmem:s2] =	stream.indirect.scatter.add.f32 [tilespmem:s16], [sflag:$0x4], $0x40, s23, s14, $0xb8;
	[tilespmem:$0x11260] =	vst v63  }
0x50: {  	_ =	swait.ge [sflag:s20], $0x1400  }
0x51: {  	[sflag:s20] =	ssyncset.done $0x0  }
0x52: {  	[sflag:s20] =	ssyncadd.s32 $0xFFFFEC00  }
0x53: {  	_ =	swait.ge [sflag:s17], $0x1400  }
0x54: {  	[sflag:s17] =	ssyncset.done $0x0  }
0x55: {  	[sflag:s17] =	ssyncadd.s32 $0xFFFFEC00  }
0x56: {  	[spmem:s2] =	stream.indirect.scatter.add.f32 [tilespmem:s15], [sflag:$0x3], $0x40, s24, s14, $0xb8;
	[tilespmem:$0x11260] =	vst v63  }
0x57: {  	_ =	swait.ge [sflag:s18], $0x1400  }
0x58: {  	s25 =	sadd.s32 $0x1, s25;
	[sflag:s18] =	ssyncset.done $0x0  }
0x59: {  	p0 =	sne.s32 s25, s10;
	[sflag:s18] =	ssyncadd.s32 $0xFFFFEC00  }
.Ltmp1:
0x5a: {  	[bflag:$0x0] =	sbarrier.arrive $0xFFFF;
	(pc) =	sbr.rel @p0 .LBB2_1-.Ltmp1, $4  }
0x5b: {  	[hbm:s9], [sflag:s6] =	dma.local [spmem:s11], $0x1388  }
0x5c: {  	_ =	swait.ge [sflag:s12], $0x1388  }
0x5d: {  	[sflag:s12] =	ssyncset.done $0x0  }
0x5e: {  	[sflag:s12] =	ssyncadd.s32 $0xFFFFEC78  }
0x5f: {  	_ =	sfence.sel $0x180000  }
0x60: {  	[bflag:$0x0] =	sbarrier.arrive $0xFFFF  }
0x61: {  	p0 =	sne.s32 s1, $0x0;
	_ =	strace $0x9000004A  }
0x62: {  	s0 =	sadd.s32 @!p0 $0x100000, s0;
	[bflag:$0x2] =	sbarrier.arrive $0xFFFF  }
0x63: {  	[sflag:s0] =	ssyncadd.tile.s32 @!p0 $0x1;
	_ =	shalt  }
.Lfunc_end2:
_tile_overlayer_lowered:
.L_overlay_start_2:
0x64: {  	(tag) =	ssettag $0x2  }
0x65: {  	s0 =	rddreg [dreg:$0x0];
	s2 =	stileid.u32  }
0x66: {  	s1 =	rddreg [dreg:$0x1];
	p0 =	sne.s32 s2, $0x0  }
0x67: {  	s3 =	rddreg [dreg:$0x2];
	[bflag:$0x3] =	sbarrier.arrive $0xFFFF;
	s2 =	simm.s32 @!p0 $0x1C05  }
0x68: {  	[timem:s3], [sflag:s2] =	dma.local @!p0 [hbm:s0], s1  }
0x69: {  	s0 =	simm.s32 @!p0 $0x5  }
0x6a: {  	_ =	swait.ge @!p0 [sflag:s0], s1  }
0x6b: {  	s1 =	ssub.s32 @!p0 $0x0, s1;
	[sflag:s0] =	ssyncset.done @!p0 $0x0  }
0x6c: {  	[sflag:s0] =	ssyncadd.s32 @!p0 s1  }
0x6d: {  	[bflag:$0x3] =	sbarrier.arrive $0xFFFF  }
0x6e: {  	_ =	shalt  }

</sc_bundles>
